<compile_context>
chip_gen: v7x
topology: tpu7x:2x2x1
jax: 0.10.2.dev20260603
libtpu: 0.0.44.dev20260713+nightly
codegen_flags: <defaults>
</compile_context>

<pallas_src>
import functools

import jax
import jax.numpy as jnp
from jax import lax
from jax.experimental import pallas as pl
from jax.experimental.pallas import tpu as pltpu
from jax.experimental.pallas import tpu_sc as plsc

_LANES = 16
_TABLE_PAD = 128


_NCHUNK = 4


def _scale_shift_sc(elems, energy, lut, tsc, tsh):
    n = elems.shape[0]
    mesh = plsc.VectorSubcoreMesh(core_axis_name="c", subcore_axis_name="s")
    n_workers = mesh.num_cores * mesh.num_subcores
    per_w = n // n_workers
    ch = per_w // _NCHUNK
    assert n % n_workers == 0 and per_w % (_NCHUNK * _LANES) == 0

    def body(elems_hbm, energy_hbm, lut_hbm, tsc_hbm, tsh_hbm, out_hbm,
             ev0, ev1, av0, av1, ov0, ov1,
             lut_v, tsc_v, tsh_v, fsc_v, fsh_v,
             se0, se1, sa0, sa1, so0, so1):
        wid = lax.axis_index("s") * mesh.num_cores + lax.axis_index("c")
        base = wid * per_w
        evs, avs, ovs = [ev0, ev1], [av0, av1], [ov0, ov1]
        ses, sas, sos = [se0, se1], [sa0, sa1], [so0, so1]

        def fetch(c):
            b = c % 2
            src = pl.ds(base + c * ch, ch)
            return (pltpu.async_copy(elems_hbm.at[src], evs[b], ses[b]),
                    pltpu.async_copy(energy_hbm.at[src], avs[b], sas[b]))

        in_flight = {0: fetch(0)}

        t = lut_hbm.shape[0]
        pltpu.sync_copy(lut_hbm, lut_v.at[pl.ds(0, t)])
        pltpu.sync_copy(tsc_hbm, tsc_v.at[pl.ds(0, t)])
        pltpu.sync_copy(tsh_hbm, tsh_v.at[pl.ds(0, t)])

        @pl.loop(0, _TABLE_PAD // _LANES)
        def _fuse(j):
            o = j * _LANES
            d = lut_v[pl.ds(o, _LANES)]
            d = jnp.minimum(jnp.maximum(d, 0), t - 1)
            fsc_v[pl.ds(o, _LANES)] = plsc.load_gather(tsc_v, [d])
            fsh_v[pl.ds(o, _LANES)] = plsc.load_gather(tsh_v, [d])

        out_flight = {}
        for c in range(_NCHUNK):
            b = c % 2
            if c + 1 < _NCHUNK:
                in_flight[c + 1] = fetch(c + 1)
            for h in in_flight.pop(c):
                h.wait()
            if c - 2 in out_flight:
                out_flight.pop(c - 2).wait()
            ev, av, ov = evs[b], avs[b], ovs[b]

            @plsc.parallel_loop(0, ch // _LANES, unroll=8)
            def _main(j):
                o = j * _LANES
                idx = ev[pl.ds(o, _LANES)]
                sc = plsc.load_gather(fsc_v, [idx])
                sh = plsc.load_gather(fsh_v, [idx])
                ov[pl.ds(o, _LANES)] = av[pl.ds(o, _LANES)] * sc + sh

            out_flight[c] = pltpu.async_copy(
                ov, out_hbm.at[pl.ds(base + c * ch, ch)], sos[b])
        for h in out_flight.values():
            h.wait()

    run = pl.kernel(
        body,
        out_type=jax.ShapeDtypeStruct((n,), jnp.float32),
        mesh=mesh,
        compiler_params=pltpu.CompilerParams(needs_layout_passes=False),
        scratch_types=[
            pltpu.VMEM((ch,), jnp.int32),
            pltpu.VMEM((ch,), jnp.int32),
            pltpu.VMEM((ch,), jnp.float32),
            pltpu.VMEM((ch,), jnp.float32),
            pltpu.VMEM((ch,), jnp.float32),
            pltpu.VMEM((ch,), jnp.float32),
            pltpu.VMEM((_TABLE_PAD,), jnp.int32),
            pltpu.VMEM((_TABLE_PAD,), jnp.float32),
            pltpu.VMEM((_TABLE_PAD,), jnp.float32),
            pltpu.VMEM((_TABLE_PAD,), jnp.float32),
            pltpu.VMEM((_TABLE_PAD,), jnp.float32),
            pltpu.SemaphoreType.DMA,
            pltpu.SemaphoreType.DMA,
            pltpu.SemaphoreType.DMA,
            pltpu.SemaphoreType.DMA,
            pltpu.SemaphoreType.DMA,
            pltpu.SemaphoreType.DMA,
        ],
    )
    return run(elems, energy, lut, tsc, tsh)


def kernel(elems, atomic_energy, scales, shifts, elem_lookup):
    return _scale_shift_sc(elems, atomic_energy,
                           elem_lookup.astype(jnp.int32), scales, shifts)

# --- scband reference (transcript-rebuilt; emitter-appended) ---
"""Pipeline reference for scband-per-species-scale-shift-72129680769200 (READ-ONLY COPY).

The authoritative reference and input builder live on the scoring server;
editing this copy changes nothing except your own understanding.
"""

import jax, jax.numpy as jnp
import numpy as np

N_ATOMS = 1048576
N_SPECIES = 100

def setup_inputs(seed: int = 0) -> dict:
    key = jax.random.key(seed)
    k1, k2 = jax.random.split(key)
    elems = jax.random.randint(k1, (N_ATOMS,), 0, N_SPECIES, dtype=jnp.int32)
    atomic_energy = jax.random.normal(k2, (N_ATOMS,), dtype=jnp.float32)
    # Module state: species = sorted(range(100)); elem_lookup maps atomic number -> dense index
    species = jnp.arange(N_SPECIES, dtype=jnp.int32)
    elem_lookup = jnp.zeros(100, dtype=jnp.int32).at[species].set(jnp.arange(N_SPECIES, dtype=jnp.int32))
    scales = jnp.ones((N_SPECIES,), dtype=jnp.float32)
    shifts = jnp.zeros((N_SPECIES,), dtype=jnp.float32)
    return {"elems": elems, "atomic_energy": atomic_energy, "scales": scales, "shifts": shifts, "elem_lookup": elem_lookup}

def reference(elems, atomic_energy, scales, shifts, elem_lookup):
    # idx = self.elem_lookup[species]
    idx = jnp.take(elem_lookup, elems, axis=0)
    # atomic_energy * scales[idx] + shifts[idx]
    out = atomic_energy * jnp.take(scales, idx, axis=0) + jnp.take(shifts, idx, axis=0)
    return out

if __name__ == "__main__":
    import jax
    _d = setup_inputs()
    print(jax.jit(kernel)(*tuple(_d.values())))

</pallas_src>

<mosaic_0001>
#map = affine_map<(d0, d1) -> (0)>
module attributes {stable_mosaic.version = 14 : i64} {
  func.func @body(%arg0: i32, %arg1: i32, %arg2: memref<1048576xi32, #tpu.memory_space<hbm>>, %arg3: memref<1048576xf32, #tpu.memory_space<hbm>>, %arg4: memref<100xi32, #tpu.memory_space<hbm>>, %arg5: memref<100xf32, #tpu.memory_space<hbm>>, %arg6: memref<100xf32, #tpu.memory_space<hbm>>, %arg7: memref<1048576xf32, #tpu.memory_space<hbm>>, %arg8: memref<8192xi32, #tpu.memory_space<vmem>>, %arg9: memref<8192xi32, #tpu.memory_space<vmem>>, %arg10: memref<8192xf32, #tpu.memory_space<vmem>>, %arg11: memref<8192xf32, #tpu.memory_space<vmem>>, %arg12: memref<8192xf32, #tpu.memory_space<vmem>>, %arg13: memref<8192xf32, #tpu.memory_space<vmem>>, %arg14: memref<128xi32, #tpu.memory_space<vmem>>, %arg15: memref<128xf32, #tpu.memory_space<vmem>>, %arg16: memref<128xf32, #tpu.memory_space<vmem>>, %arg17: memref<128xf32, #tpu.memory_space<vmem>>, %arg18: memref<128xf32, #tpu.memory_space<vmem>>, %arg19: memref<!tpu.dma_semaphore, #tpu.memory_space<semaphore_mem>>, %arg20: memref<!tpu.dma_semaphore, #tpu.memory_space<semaphore_mem>>, %arg21: memref<!tpu.dma_semaphore, #tpu.memory_space<semaphore_mem>>, %arg22: memref<!tpu.dma_semaphore, #tpu.memory_space<semaphore_mem>>, %arg23: memref<!tpu.dma_semaphore, #tpu.memory_space<semaphore_mem>>, %arg24: memref<!tpu.dma_semaphore, #tpu.memory_space<semaphore_mem>>) attributes {dimension_semantics = [#tpu.dimension_semantics<core_parallel>, #tpu.dimension_semantics<subcore_parallel>], iteration_bounds = array<i64: 2, 16>, scalar_prefetch = 0 : i64, scratch_operands = 17 : i64, tpu.core_type = #tpu.core_type<sc_vector_subcore>, window_params = [{transform_indices = #map}, {transform_indices = #map}, {transform_indices = #map}, {transform_indices = #map}, {transform_indices = #map}, {transform_indices = #map}]} {
    %mul3A = arith.constant 2 : i32
    %mul3A_0 = arith.muli %arg1, %mul3A : i32
    %add3A = arith.addi %mul3A_0, %arg0 : i32
    %mul3A_1 = arith.constant 32768 : i32
    %mul3A_2 = arith.muli %add3A, %mul3A_1 : i32
    %add3A_3 = arith.constant 0 : i32
    %add3A_4 = arith.addi %mul3A_2, %add3A_3 : i32
    %dma_start3A = tpu.memref_slice %arg2[%add3A_4] : memref<1048576xi32, #tpu.memory_space<hbm>> -> memref<8192xi32, #tpu.memory_space<hbm>>
    %dma_start3A_5 = tpu.memref_slice %arg2[%add3A_4] : memref<1048576xi32, #tpu.memory_space<hbm>> -> memref<8192xi32, #tpu.memory_space<hbm>>
    tpu.enqueue_dma source(%dma_start3A_5 : memref<8192xi32, #tpu.memory_space<hbm>>) target(%arg8 : memref<8192xi32, #tpu.memory_space<vmem>>) target_semaphore(%arg19 : memref<!tpu.dma_semaphore, #tpu.memory_space<semaphore_mem>>)
    %dma_start3A_6 = tpu.memref_slice %arg3[%add3A_4] : memref<1048576xf32, #tpu.memory_space<hbm>> -> memref<8192xf32, #tpu.memory_space<hbm>>
    %dma_start3A_7 = tpu.memref_slice %arg3[%add3A_4] : memref<1048576xf32, #tpu.memory_space<hbm>> -> memref<8192xf32, #tpu.memory_space<hbm>>
    tpu.enqueue_dma source(%dma_start3A_7 : memref<8192xf32, #tpu.memory_space<hbm>>) target(%arg10 : memref<8192xf32, #tpu.memory_space<vmem>>) target_semaphore(%arg21 : memref<!tpu.dma_semaphore, #tpu.memory_space<semaphore_mem>>)
    "tpu.region"() ({
      %run_scoped3A = tpu.sem_alloc : memref<!tpu.dma_semaphore, #tpu.memory_space<semaphore_mem>>
      %dma_start3A_80 = arith.constant 0 : i32
      %dma_start3A_81 = tpu.memref_slice %arg14[%dma_start3A_80] : memref<128xi32, #tpu.memory_space<vmem>> -> memref<100xi32, #tpu.memory_space<vmem>>
      %dma_start3A_82 = arith.constant 0 : i32
      %dma_start3A_83 = tpu.memref_slice %arg14[%dma_start3A_82] : memref<128xi32, #tpu.memory_space<vmem>> -> memref<100xi32, #tpu.memory_space<vmem>>
      tpu.enqueue_dma source(%arg4 : memref<100xi32, #tpu.memory_space<hbm>>) target(%dma_start3A_83 : memref<100xi32, #tpu.memory_space<vmem>>) target_semaphore(%run_scoped3A : memref<!tpu.dma_semaphore, #tpu.memory_space<semaphore_mem>>)
      %dma_wait3A_84 = arith.constant 0 : i32
      %dma_wait3A_85 = tpu.memref_slice %arg14[%dma_wait3A_84] : memref<128xi32, #tpu.memory_space<vmem>> -> memref<100xi32, #tpu.memory_space<vmem>>
      %dma_wait3A_86 = arith.constant 0 : i32
      %dma_wait3A_87 = tpu.memref_slice %arg14[%dma_wait3A_86] : memref<128xi32, #tpu.memory_space<vmem>> -> memref<100xi32, #tpu.memory_space<vmem>>
      tpu.wait_dma2 semaphore(%run_scoped3A : memref<!tpu.dma_semaphore, #tpu.memory_space<semaphore_mem>>) src(%arg4 : memref<100xi32, #tpu.memory_space<hbm>>) dst(%dma_wait3A_87 : memref<100xi32, #tpu.memory_space<vmem>>)
      tpu.yield
    }) : () -> ()
    "tpu.region"() ({
      %run_scoped3A = tpu.sem_alloc : memref<!tpu.dma_semaphore, #tpu.memory_space<semaphore_mem>>
      %dma_start3A_80 = arith.constant 0 : i32
      %dma_start3A_81 = tpu.memref_slice %arg15[%dma_start3A_80] : memref<128xf32, #tpu.memory_space<vmem>> -> memref<100xf32, #tpu.memory_space<vmem>>
      %dma_start3A_82 = arith.constant 0 : i32
      %dma_start3A_83 = tpu.memref_slice %arg15[%dma_start3A_82] : memref<128xf32, #tpu.memory_space<vmem>> -> memref<100xf32, #tpu.memory_space<vmem>>
      tpu.enqueue_dma source(%arg5 : memref<100xf32, #tpu.memory_space<hbm>>) target(%dma_start3A_83 : memref<100xf32, #tpu.memory_space<vmem>>) target_semaphore(%run_scoped3A : memref<!tpu.dma_semaphore, #tpu.memory_space<semaphore_mem>>)
      %dma_wait3A_84 = arith.constant 0 : i32
      %dma_wait3A_85 = tpu.memref_slice %arg15[%dma_wait3A_84] : memref<128xf32, #tpu.memory_space<vmem>> -> memref<100xf32, #tpu.memory_space<vmem>>
      %dma_wait3A_86 = arith.constant 0 : i32
      %dma_wait3A_87 = tpu.memref_slice %arg15[%dma_wait3A_86] : memref<128xf32, #tpu.memory_space<vmem>> -> memref<100xf32, #tpu.memory_space<vmem>>
      tpu.wait_dma2 semaphore(%run_scoped3A : memref<!tpu.dma_semaphore, #tpu.memory_space<semaphore_mem>>) src(%arg5 : memref<100xf32, #tpu.memory_space<hbm>>) dst(%dma_wait3A_87 : memref<100xf32, #tpu.memory_space<vmem>>)
      tpu.yield
    }) : () -> ()
    "tpu.region"() ({
      %run_scoped3A = tpu.sem_alloc : memref<!tpu.dma_semaphore, #tpu.memory_space<semaphore_mem>>
      %dma_start3A_80 = arith.constant 0 : i32
      %dma_start3A_81 = tpu.memref_slice %arg16[%dma_start3A_80] : memref<128xf32, #tpu.memory_space<vmem>> -> memref<100xf32, #tpu.memory_space<vmem>>
      %dma_start3A_82 = arith.constant 0 : i32
      %dma_start3A_83 = tpu.memref_slice %arg16[%dma_start3A_82] : memref<128xf32, #tpu.memory_space<vmem>> -> memref<100xf32, #tpu.memory_space<vmem>>
      tpu.enqueue_dma source(%arg6 : memref<100xf32, #tpu.memory_space<hbm>>) target(%dma_start3A_83 : memref<100xf32, #tpu.memory_space<vmem>>) target_semaphore(%run_scoped3A : memref<!tpu.dma_semaphore, #tpu.memory_space<semaphore_mem>>)
      %dma_wait3A_84 = arith.constant 0 : i32
      %dma_wait3A_85 = tpu.memref_slice %arg16[%dma_wait3A_84] : memref<128xf32, #tpu.memory_space<vmem>> -> memref<100xf32, #tpu.memory_space<vmem>>
      %dma_wait3A_86 = arith.constant 0 : i32
      %dma_wait3A_87 = tpu.memref_slice %arg16[%dma_wait3A_86] : memref<128xf32, #tpu.memory_space<vmem>> -> memref<100xf32, #tpu.memory_space<vmem>>
      tpu.wait_dma2 semaphore(%run_scoped3A : memref<!tpu.dma_semaphore, #tpu.memory_space<semaphore_mem>>) src(%arg6 : memref<100xf32, #tpu.memory_space<hbm>>) dst(%dma_wait3A_87 : memref<100xf32, #tpu.memory_space<vmem>>)
      tpu.yield
    }) : () -> ()
    %scan3A = arith.constant 0 : i32
    %scan3A_8 = arith.constant 8 : i32
    %scan3A_9 = arith.addi %scan3A, %scan3A_8 : i32
    %scan3A_10 = arith.constant 1 : i32
    scf.for %scan3A_80 = %scan3A to %scan3A_9 step %scan3A_10  : i32 {
      %mul3A_81 = arith.constant 1 : i32
      %mul3A_82 = arith.muli %scan3A_80, %mul3A_81 : i32
      %add3A_83 = arith.constant 0 : i32
      %add3A_84 = arith.addi %add3A_83, %mul3A_82 : i32
      %mul3A_85 = arith.constant 16 : i32
      %mul3A_86 = arith.muli %add3A_84, %mul3A_85 : i32
      %get3A = arith.index_cast %mul3A_86 : i32 to index
      %get3A_87 = tpu.vector_load %arg14[%get3A] {strides = array<i32>} : memref<128xi32, #tpu.memory_space<vmem>>, vector<16xi32>,
      %max3A = arith.constant 0 : i32
      %max3A_88 = vector.broadcast %max3A : i32 to vector<16xi32>
      %max3A_89 = arith.maxsi %get3A_87, %max3A_88 : vector<16xi32>
      %min3A = arith.constant 99 : i32
      %min3A_90 = vector.broadcast %min3A : i32 to vector<16xi32>
      %min3A_91 = arith.minsi %max3A_89, %min3A_90 : vector<16xi32>
      %gather3A = tpu.vector_load_idx %arg15[%min3A_91] : memref<128xf32, #tpu.memory_space<vmem>>[vector<16xi32>], vector<16xf32>,
      %swap3A = arith.index_cast %mul3A_86 : i32 to index
      %swap3A_92 = tpu.vector_load %arg17[%swap3A] {strides = array<i32>} : memref<128xf32, #tpu.memory_space<vmem>>, vector<16xf32>,
      tpu.vector_store %arg17[%swap3A], %gather3A {strides = array<i32>} : memref<128xf32, #tpu.memory_space<vmem>>, vector<16xf32>,
      %gather3A_93 = tpu.vector_load_idx %arg16[%min3A_91] : memref<128xf32, #tpu.memory_space<vmem>>[vector<16xi32>], vector<16xf32>,
      %swap3A_94 = arith.index_cast %mul3A_86 : i32 to index
      %swap3A_95 = tpu.vector_load %arg18[%swap3A_94] {strides = array<i32>} : memref<128xf32, #tpu.memory_space<vmem>>, vector<16xf32>,
      tpu.vector_store %arg18[%swap3A_94], %gather3A_93 {strides = array<i32>} : memref<128xf32, #tpu.memory_space<vmem>>, vector<16xf32>,
    }
    %scan3A_11 = arith.constant 8 : i32
    %add3A_12 = arith.constant 8192 : i32
    %add3A_13 = arith.addi %mul3A_2, %add3A_12 : i32
    %dma_start3A_14 = tpu.memref_slice %arg2[%add3A_13] : memref<1048576xi32, #tpu.memory_space<hbm>> -> memref<8192xi32, #tpu.memory_space<hbm>>
    %dma_start3A_15 = tpu.memref_slice %arg2[%add3A_13] : memref<1048576xi32, #tpu.memory_space<hbm>> -> memref<8192xi32, #tpu.memory_space<hbm>>
    tpu.enqueue_dma source(%dma_start3A_15 : memref<8192xi32, #tpu.memory_space<hbm>>) target(%arg9 : memref<8192xi32, #tpu.memory_space<vmem>>) target_semaphore(%arg20 : memref<!tpu.dma_semaphore, #tpu.memory_space<semaphore_mem>>)
    %dma_start3A_16 = tpu.memref_slice %arg3[%add3A_13] : memref<1048576xf32, #tpu.memory_space<hbm>> -> memref<8192xf32, #tpu.memory_space<hbm>>
    %dma_start3A_17 = tpu.memref_slice %arg3[%add3A_13] : memref<1048576xf32, #tpu.memory_space<hbm>> -> memref<8192xf32, #tpu.memory_space<hbm>>
    tpu.enqueue_dma source(%dma_start3A_17 : memref<8192xf32, #tpu.memory_space<hbm>>) target(%arg11 : memref<8192xf32, #tpu.memory_space<vmem>>) target_semaphore(%arg22 : memref<!tpu.dma_semaphore, #tpu.memory_space<semaphore_mem>>)
    %dma_wait3A = tpu.memref_slice %arg2[%add3A_4] : memref<1048576xi32, #tpu.memory_space<hbm>> -> memref<8192xi32, #tpu.memory_space<hbm>>
    %dma_wait3A_18 = tpu.memref_slice %arg2[%add3A_4] : memref<1048576xi32, #tpu.memory_space<hbm>> -> memref<8192xi32, #tpu.memory_space<hbm>>
    tpu.wait_dma2 semaphore(%arg19 : memref<!tpu.dma_semaphore, #tpu.memory_space<semaphore_mem>>) src(%dma_wait3A_18 : memref<8192xi32, #tpu.memory_space<hbm>>) dst(%arg8 : memref<8192xi32, #tpu.memory_space<vmem>>)
    %dma_wait3A_19 = tpu.memref_slice %arg3[%add3A_4] : memref<1048576xf32, #tpu.memory_space<hbm>> -> memref<8192xf32, #tpu.memory_space<hbm>>
    %dma_wait3A_20 = tpu.memref_slice %arg3[%add3A_4] : memref<1048576xf32, #tpu.memory_space<hbm>> -> memref<8192xf32, #tpu.memory_space<hbm>>
    tpu.wait_dma2 semaphore(%arg21 : memref<!tpu.dma_semaphore, #tpu.memory_space<semaphore_mem>>) src(%dma_wait3A_20 : memref<8192xf32, #tpu.memory_space<hbm>>) dst(%arg10 : memref<8192xf32, #tpu.memory_space<vmem>>)
    %parallel_loop3A = arith.constant 0 : i32
    %parallel_loop3A_21 = arith.constant 512 : i32
    %parallel_loop3A_22 = arith.constant 1 : i32
    scf.for %parallel_loop3A_80 = %parallel_loop3A to %parallel_loop3A_21 step %parallel_loop3A_22  : i32 {
      %parallel_loop3A_81 = arith.constant 16 : i32
      %parallel_loop3A_82 = arith.muli %parallel_loop3A_80, %parallel_loop3A_81 : i32
      %parallel_loop3A_83 = arith.index_cast %parallel_loop3A_82 : i32 to index
      %parallel_loop3A_84 = tpu.vector_load %arg8[%parallel_loop3A_83] {strides = array<i32>} : memref<8192xi32, #tpu.memory_space<vmem>>, vector<16xi32>,
      %parallel_loop3A_85 = tpu.vector_load_idx %arg17[%parallel_loop3A_84] : memref<128xf32, #tpu.memory_space<vmem>>[vector<16xi32>], vector<16xf32>,
      %parallel_loop3A_86 = tpu.vector_load_idx %arg18[%parallel_loop3A_84] : memref<128xf32, #tpu.memory_space<vmem>>[vector<16xi32>], vector<16xf32>,
      %parallel_loop3A_87 = arith.index_cast %parallel_loop3A_82 : i32 to index
      %parallel_loop3A_88 = tpu.vector_load %arg10[%parallel_loop3A_87] {strides = array<i32>} : memref<8192xf32, #tpu.memory_space<vmem>>, vector<16xf32>,
      %parallel_loop3A_89 = arith.mulf %parallel_loop3A_88, %parallel_loop3A_85 : vector<16xf32>
      %parallel_loop3A_90 = arith.addf %parallel_loop3A_89, %parallel_loop3A_86 : vector<16xf32>
      %parallel_loop3A_91 = arith.index_cast %parallel_loop3A_82 : i32 to index
      %parallel_loop3A_92 = tpu.vector_load %arg12[%parallel_loop3A_91] {strides = array<i32>} : memref<8192xf32, #tpu.memory_space<vmem>>, vector<16xf32>,
      tpu.vector_store %arg12[%parallel_loop3A_91], %parallel_loop3A_90 {strides = array<i32>} : memref<8192xf32, #tpu.memory_space<vmem>>, vector<16xf32>,
    } {sc.loop_unroll_factor = 8 : i64, sc.parallel_access}
    %add3A_23 = arith.constant 0 : i32
    %add3A_24 = arith.addi %mul3A_2, %add3A_23 : i32
    %dma_start3A_25 = tpu.memref_slice %arg7[%add3A_24] : memref<1048576xf32, #tpu.memory_space<hbm>> -> memref<8192xf32, #tpu.memory_space<hbm>>
    %dma_start3A_26 = tpu.memref_slice %arg7[%add3A_24] : memref<1048576xf32, #tpu.memory_space<hbm>> -> memref<8192xf32, #tpu.memory_space<hbm>>
    tpu.enqueue_dma source(%arg12 : memref<8192xf32, #tpu.memory_space<vmem>>) target(%dma_start3A_26 : memref<8192xf32, #tpu.memory_space<hbm>>) target_semaphore(%arg23 : memref<!tpu.dma_semaphore, #tpu.memory_space<semaphore_mem>>)
    %add3A_27 = arith.constant 16384 : i32
    %add3A_28 = arith.addi %mul3A_2, %add3A_27 : i32
    %dma_start3A_29 = tpu.memref_slice %arg2[%add3A_28] : memref<1048576xi32, #tpu.memory_space<hbm>> -> memref<8192xi32, #tpu.memory_space<hbm>>
    %dma_start3A_30 = tpu.memref_slice %arg2[%add3A_28] : memref<1048576xi32, #tpu.memory_space<hbm>> -> memref<8192xi32, #tpu.memory_space<hbm>>
    tpu.enqueue_dma source(%dma_start3A_30 : memref<8192xi32, #tpu.memory_space<hbm>>) target(%arg8 : memref<8192xi32, #tpu.memory_space<vmem>>) target_semaphore(%arg19 : memref<!tpu.dma_semaphore, #tpu.memory_space<semaphore_mem>>)
    %dma_start3A_31 = tpu.memref_slice %arg3[%add3A_28] : memref<1048576xf32, #tpu.memory_space<hbm>> -> memref<8192xf32, #tpu.memory_space<hbm>>
    %dma_start3A_32 = tpu.memref_slice %arg3[%add3A_28] : memref<1048576xf32, #tpu.memory_space<hbm>> -> memref<8192xf32, #tpu.memory_space<hbm>>
    tpu.enqueue_dma source(%dma_start3A_32 : memref<8192xf32, #tpu.memory_space<hbm>>) target(%arg10 : memref<8192xf32, #tpu.memory_space<vmem>>) target_semaphore(%arg21 : memref<!tpu.dma_semaphore, #tpu.memory_space<semaphore_mem>>)
    %dma_wait3A_33 = tpu.memref_slice %arg2[%add3A_13] : memref<1048576xi32, #tpu.memory_space<hbm>> -> memref<8192xi32, #tpu.memory_space<hbm>>
    %dma_wait3A_34 = tpu.memref_slice %arg2[%add3A_13] : memref<1048576xi32, #tpu.memory_space<hbm>> -> memref<8192xi32, #tpu.memory_space<hbm>>
    tpu.wait_dma2 semaphore(%arg20 : memref<!tpu.dma_semaphore, #tpu.memory_space<semaphore_mem>>) src(%dma_wait3A_34 : memref<8192xi32, #tpu.memory_space<hbm>>) dst(%arg9 : memref<8192xi32, #tpu.memory_space<vmem>>)
    %dma_wait3A_35 = tpu.memref_slice %arg3[%add3A_13] : memref<1048576xf32, #tpu.memory_space<hbm>> -> memref<8192xf32, #tpu.memory_space<hbm>>
    %dma_wait3A_36 = tpu.memref_slice %arg3[%add3A_13] : memref<1048576xf32, #tpu.memory_space<hbm>> -> memref<8192xf32, #tpu.memory_space<hbm>>
    tpu.wait_dma2 semaphore(%arg22 : memref<!tpu.dma_semaphore, #tpu.memory_space<semaphore_mem>>) src(%dma_wait3A_36 : memref<8192xf32, #tpu.memory_space<hbm>>) dst(%arg11 : memref<8192xf32, #tpu.memory_space<vmem>>)
    %parallel_loop3A_37 = arith.constant 0 : i32
    %parallel_loop3A_38 = arith.constant 512 : i32
    %parallel_loop3A_39 = arith.constant 1 : i32
    scf.for %parallel_loop3A_80 = %parallel_loop3A_37 to %parallel_loop3A_38 step %parallel_loop3A_39  : i32 {
      %parallel_loop3A_81 = arith.constant 16 : i32
      %parallel_loop3A_82 = arith.muli %parallel_loop3A_80, %parallel_loop3A_81 : i32
      %parallel_loop3A_83 = arith.index_cast %parallel_loop3A_82 : i32 to index
      %parallel_loop3A_84 = tpu.vector_load %arg9[%parallel_loop3A_83] {strides = array<i32>} : memref<8192xi32, #tpu.memory_space<vmem>>, vector<16xi32>,
      %parallel_loop3A_85 = tpu.vector_load_idx %arg17[%parallel_loop3A_84] : memref<128xf32, #tpu.memory_space<vmem>>[vector<16xi32>], vector<16xf32>,
      %parallel_loop3A_86 = tpu.vector_load_idx %arg18[%parallel_loop3A_84] : memref<128xf32, #tpu.memory_space<vmem>>[vector<16xi32>], vector<16xf32>,
      %parallel_loop3A_87 = arith.index_cast %parallel_loop3A_82 : i32 to index
      %parallel_loop3A_88 = tpu.vector_load %arg11[%parallel_loop3A_87] {strides = array<i32>} : memref<8192xf32, #tpu.memory_space<vmem>>, vector<16xf32>,
      %parallel_loop3A_89 = arith.mulf %parallel_loop3A_88, %parallel_loop3A_85 : vector<16xf32>
      %parallel_loop3A_90 = arith.addf %parallel_loop3A_89, %parallel_loop3A_86 : vector<16xf32>
      %parallel_loop3A_91 = arith.index_cast %parallel_loop3A_82 : i32 to index
      %parallel_loop3A_92 = tpu.vector_load %arg13[%parallel_loop3A_91] {strides = array<i32>} : memref<8192xf32, #tpu.memory_space<vmem>>, vector<16xf32>,
      tpu.vector_store %arg13[%parallel_loop3A_91], %parallel_loop3A_90 {strides = array<i32>} : memref<8192xf32, #tpu.memory_space<vmem>>, vector<16xf32>,
    } {sc.loop_unroll_factor = 8 : i64, sc.parallel_access}
    %add3A_40 = arith.constant 8192 : i32
    %add3A_41 = arith.addi %mul3A_2, %add3A_40 : i32
    %dma_start3A_42 = tpu.memref_slice %arg7[%add3A_41] : memref<1048576xf32, #tpu.memory_space<hbm>> -> memref<8192xf32, #tpu.memory_space<hbm>>
    %dma_start3A_43 = tpu.memref_slice %arg7[%add3A_41] : memref<1048576xf32, #tpu.memory_space<hbm>> -> memref<8192xf32, #tpu.memory_space<hbm>>
    tpu.enqueue_dma source(%arg13 : memref<8192xf32, #tpu.memory_space<vmem>>) target(%dma_start3A_43 : memref<8192xf32, #tpu.memory_space<hbm>>) target_semaphore(%arg24 : memref<!tpu.dma_semaphore, #tpu.memory_space<semaphore_mem>>)
    %add3A_44 = arith.constant 24576 : i32
    %add3A_45 = arith.addi %mul3A_2, %add3A_44 : i32
    %dma_start3A_46 = tpu.memref_slice %arg2[%add3A_45] : memref<1048576xi32, #tpu.memory_space<hbm>> -> memref<8192xi32, #tpu.memory_space<hbm>>
    %dma_start3A_47 = tpu.memref_slice %arg2[%add3A_45] : memref<1048576xi32, #tpu.memory_space<hbm>> -> memref<8192xi32, #tpu.memory_space<hbm>>
    tpu.enqueue_dma source(%dma_start3A_47 : memref<8192xi32, #tpu.memory_space<hbm>>) target(%arg9 : memref<8192xi32, #tpu.memory_space<vmem>>) target_semaphore(%arg20 : memref<!tpu.dma_semaphore, #tpu.memory_space<semaphore_mem>>)
    %dma_start3A_48 = tpu.memref_slice %arg3[%add3A_45] : memref<1048576xf32, #tpu.memory_space<hbm>> -> memref<8192xf32, #tpu.memory_space<hbm>>
    %dma_start3A_49 = tpu.memref_slice %arg3[%add3A_45] : memref<1048576xf32, #tpu.memory_space<hbm>> -> memref<8192xf32, #tpu.memory_space<hbm>>
    tpu.enqueue_dma source(%dma_start3A_49 : memref<8192xf32, #tpu.memory_space<hbm>>) target(%arg11 : memref<8192xf32, #tpu.memory_space<vmem>>) target_semaphore(%arg22 : memref<!tpu.dma_semaphore, #tpu.memory_space<semaphore_mem>>)
    %dma_wait3A_50 = tpu.memref_slice %arg2[%add3A_28] : memref<1048576xi32, #tpu.memory_space<hbm>> -> memref<8192xi32, #tpu.memory_space<hbm>>
    %dma_wait3A_51 = tpu.memref_slice %arg2[%add3A_28] : memref<1048576xi32, #tpu.memory_space<hbm>> -> memref<8192xi32, #tpu.memory_space<hbm>>
    tpu.wait_dma2 semaphore(%arg19 : memref<!tpu.dma_semaphore, #tpu.memory_space<semaphore_mem>>) src(%dma_wait3A_51 : memref<8192xi32, #tpu.memory_space<hbm>>) dst(%arg8 : memref<8192xi32, #tpu.memory_space<vmem>>)
    %dma_wait3A_52 = tpu.memref_slice %arg3[%add3A_28] : memref<1048576xf32, #tpu.memory_space<hbm>> -> memref<8192xf32, #tpu.memory_space<hbm>>
    %dma_wait3A_53 = tpu.memref_slice %arg3[%add3A_28] : memref<1048576xf32, #tpu.memory_space<hbm>> -> memref<8192xf32, #tpu.memory_space<hbm>>
    tpu.wait_dma2 semaphore(%arg21 : memref<!tpu.dma_semaphore, #tpu.memory_space<semaphore_mem>>) src(%dma_wait3A_53 : memref<8192xf32, #tpu.memory_space<hbm>>) dst(%arg10 : memref<8192xf32, #tpu.memory_space<vmem>>)
    %dma_wait3A_54 = tpu.memref_slice %arg7[%add3A_24] : memref<1048576xf32, #tpu.memory_space<hbm>> -> memref<8192xf32, #tpu.memory_space<hbm>>
    %dma_wait3A_55 = tpu.memref_slice %arg7[%add3A_24] : memref<1048576xf32, #tpu.memory_space<hbm>> -> memref<8192xf32, #tpu.memory_space<hbm>>
    tpu.wait_dma2 semaphore(%arg23 : memref<!tpu.dma_semaphore, #tpu.memory_space<semaphore_mem>>) src(%arg12 : memref<8192xf32, #tpu.memory_space<vmem>>) dst(%dma_wait3A_55 : memref<8192xf32, #tpu.memory_space<hbm>>)
    %parallel_loop3A_56 = arith.constant 0 : i32
    %parallel_loop3A_57 = arith.constant 512 : i32
    %parallel_loop3A_58 = arith.constant 1 : i32
    scf.for %parallel_loop3A_80 = %parallel_loop3A_56 to %parallel_loop3A_57 step %parallel_loop3A_58  : i32 {
      %parallel_loop3A_81 = arith.constant 16 : i32
      %parallel_loop3A_82 = arith.muli %parallel_loop3A_80, %parallel_loop3A_81 : i32
      %parallel_loop3A_83 = arith.index_cast %parallel_loop3A_82 : i32 to index
      %parallel_loop3A_84 = tpu.vector_load %arg8[%parallel_loop3A_83] {strides = array<i32>} : memref<8192xi32, #tpu.memory_space<vmem>>, vector<16xi32>,
      %parallel_loop3A_85 = tpu.vector_load_idx %arg17[%parallel_loop3A_84] : memref<128xf32, #tpu.memory_space<vmem>>[vector<16xi32>], vector<16xf32>,
      %parallel_loop3A_86 = tpu.vector_load_idx %arg18[%parallel_loop3A_84] : memref<128xf32, #tpu.memory_space<vmem>>[vector<16xi32>], vector<16xf32>,
      %parallel_loop3A_87 = arith.index_cast %parallel_loop3A_82 : i32 to index
      %parallel_loop3A_88 = tpu.vector_load %arg10[%parallel_loop3A_87] {strides = array<i32>} : memref<8192xf32, #tpu.memory_space<vmem>>, vector<16xf32>,
      %parallel_loop3A_89 = arith.mulf %parallel_loop3A_88, %parallel_loop3A_85 : vector<16xf32>
      %parallel_loop3A_90 = arith.addf %parallel_loop3A_89, %parallel_loop3A_86 : vector<16xf32>
      %parallel_loop3A_91 = arith.index_cast %parallel_loop3A_82 : i32 to index
      %parallel_loop3A_92 = tpu.vector_load %arg12[%parallel_loop3A_91] {strides = array<i32>} : memref<8192xf32, #tpu.memory_space<vmem>>, vector<16xf32>,
      tpu.vector_store %arg12[%parallel_loop3A_91], %parallel_loop3A_90 {strides = array<i32>} : memref<8192xf32, #tpu.memory_space<vmem>>, vector<16xf32>,
    } {sc.loop_unroll_factor = 8 : i64, sc.parallel_access}
    %add3A_59 = arith.constant 16384 : i32
    %add3A_60 = arith.addi %mul3A_2, %add3A_59 : i32
    %dma_start3A_61 = tpu.memref_slice %arg7[%add3A_60] : memref<1048576xf32, #tpu.memory_space<hbm>> -> memref<8192xf32, #tpu.memory_space<hbm>>
    %dma_start3A_62 = tpu.memref_slice %arg7[%add3A_60] : memref<1048576xf32, #tpu.memory_space<hbm>> -> memref<8192xf32, #tpu.memory_space<hbm>>
    tpu.enqueue_dma source(%arg12 : memref<8192xf32, #tpu.memory_space<vmem>>) target(%dma_start3A_62 : memref<8192xf32, #tpu.memory_space<hbm>>) target_semaphore(%arg23 : memref<!tpu.dma_semaphore, #tpu.memory_space<semaphore_mem>>)
    %dma_wait3A_63 = tpu.memref_slice %arg2[%add3A_45] : memref<1048576xi32, #tpu.memory_space<hbm>> -> memref<8192xi32, #tpu.memory_space<hbm>>
    %dma_wait3A_64 = tpu.memref_slice %arg2[%add3A_45] : memref<1048576xi32, #tpu.memory_space<hbm>> -> memref<8192xi32, #tpu.memory_space<hbm>>
    tpu.wait_dma2 semaphore(%arg20 : memref<!tpu.dma_semaphore, #tpu.memory_space<semaphore_mem>>) src(%dma_wait3A_64 : memref<8192xi32, #tpu.memory_space<hbm>>) dst(%arg9 : memref<8192xi32, #tpu.memory_space<vmem>>)
    %dma_wait3A_65 = tpu.memref_slice %arg3[%add3A_45] : memref<1048576xf32, #tpu.memory_space<hbm>> -> memref<8192xf32, #tpu.memory_space<hbm>>
    %dma_wait3A_66 = tpu.memref_slice %arg3[%add3A_45] : memref<1048576xf32, #tpu.memory_space<hbm>> -> memref<8192xf32, #tpu.memory_space<hbm>>
    tpu.wait_dma2 semaphore(%arg22 : memref<!tpu.dma_semaphore, #tpu.memory_space<semaphore_mem>>) src(%dma_wait3A_66 : memref<8192xf32, #tpu.memory_space<hbm>>) dst(%arg11 : memref<8192xf32, #tpu.memory_space<vmem>>)
    %dma_wait3A_67 = tpu.memref_slice %arg7[%add3A_41] : memref<1048576xf32, #tpu.memory_space<hbm>> -> memref<8192xf32, #tpu.memory_space<hbm>>
    %dma_wait3A_68 = tpu.memref_slice %arg7[%add3A_41] : memref<1048576xf32, #tpu.memory_space<hbm>> -> memref<8192xf32, #tpu.memory_space<hbm>>
    tpu.wait_dma2 semaphore(%arg24 : memref<!tpu.dma_semaphore, #tpu.memory_space<semaphore_mem>>) src(%arg13 : memref<8192xf32, #tpu.memory_space<vmem>>) dst(%dma_wait3A_68 : memref<8192xf32, #tpu.memory_space<hbm>>)
    %parallel_loop3A_69 = arith.constant 0 : i32
    %parallel_loop3A_70 = arith.constant 512 : i32
    %parallel_loop3A_71 = arith.constant 1 : i32
    scf.for %parallel_loop3A_80 = %parallel_loop3A_69 to %parallel_loop3A_70 step %parallel_loop3A_71  : i32 {
      %parallel_loop3A_81 = arith.constant 16 : i32
      %parallel_loop3A_82 = arith.muli %parallel_loop3A_80, %parallel_loop3A_81 : i32
      %parallel_loop3A_83 = arith.index_cast %parallel_loop3A_82 : i32 to index
      %parallel_loop3A_84 = tpu.vector_load %arg9[%parallel_loop3A_83] {strides = array<i32>} : memref<8192xi32, #tpu.memory_space<vmem>>, vector<16xi32>,
      %parallel_loop3A_85 = tpu.vector_load_idx %arg17[%parallel_loop3A_84] : memref<128xf32, #tpu.memory_space<vmem>>[vector<16xi32>], vector<16xf32>,
      %parallel_loop3A_86 = tpu.vector_load_idx %arg18[%parallel_loop3A_84] : memref<128xf32, #tpu.memory_space<vmem>>[vector<16xi32>], vector<16xf32>,
      %parallel_loop3A_87 = arith.index_cast %parallel_loop3A_82 : i32 to index
      %parallel_loop3A_88 = tpu.vector_load %arg11[%parallel_loop3A_87] {strides = array<i32>} : memref<8192xf32, #tpu.memory_space<vmem>>, vector<16xf32>,
      %parallel_loop3A_89 = arith.mulf %parallel_loop3A_88, %parallel_loop3A_85 : vector<16xf32>
      %parallel_loop3A_90 = arith.addf %parallel_loop3A_89, %parallel_loop3A_86 : vector<16xf32>
      %parallel_loop3A_91 = arith.index_cast %parallel_loop3A_82 : i32 to index
      %parallel_loop3A_92 = tpu.vector_load %arg13[%parallel_loop3A_91] {strides = array<i32>} : memref<8192xf32, #tpu.memory_space<vmem>>, vector<16xf32>,
      tpu.vector_store %arg13[%parallel_loop3A_91], %parallel_loop3A_90 {strides = array<i32>} : memref<8192xf32, #tpu.memory_space<vmem>>, vector<16xf32>,
    } {sc.loop_unroll_factor = 8 : i64, sc.parallel_access}
    %add3A_72 = arith.constant 24576 : i32
    %add3A_73 = arith.addi %mul3A_2, %add3A_72 : i32
    %dma_start3A_74 = tpu.memref_slice %arg7[%add3A_73] : memref<1048576xf32, #tpu.memory_space<hbm>> -> memref<8192xf32, #tpu.memory_space<hbm>>
    %dma_start3A_75 = tpu.memref_slice %arg7[%add3A_73] : memref<1048576xf32, #tpu.memory_space<hbm>> -> memref<8192xf32, #tpu.memory_space<hbm>>
    tpu.enqueue_dma source(%arg13 : memref<8192xf32, #tpu.memory_space<vmem>>) target(%dma_start3A_75 : memref<8192xf32, #tpu.memory_space<hbm>>) target_semaphore(%arg24 : memref<!tpu.dma_semaphore, #tpu.memory_space<semaphore_mem>>)
    %dma_wait3A_76 = tpu.memref_slice %arg7[%add3A_60] : memref<1048576xf32, #tpu.memory_space<hbm>> -> memref<8192xf32, #tpu.memory_space<hbm>>
    %dma_wait3A_77 = tpu.memref_slice %arg7[%add3A_60] : memref<1048576xf32, #tpu.memory_space<hbm>> -> memref<8192xf32, #tpu.memory_space<hbm>>
    tpu.wait_dma2 semaphore(%arg23 : memref<!tpu.dma_semaphore, #tpu.memory_space<semaphore_mem>>) src(%arg12 : memref<8192xf32, #tpu.memory_space<vmem>>) dst(%dma_wait3A_77 : memref<8192xf32, #tpu.memory_space<hbm>>)
    %dma_wait3A_78 = tpu.memref_slice %arg7[%add3A_73] : memref<1048576xf32, #tpu.memory_space<hbm>> -> memref<8192xf32, #tpu.memory_space<hbm>>
    %dma_wait3A_79 = tpu.memref_slice %arg7[%add3A_73] : memref<1048576xf32, #tpu.memory_space<hbm>> -> memref<8192xf32, #tpu.memory_space<hbm>>
    tpu.wait_dma2 semaphore(%arg24 : memref<!tpu.dma_semaphore, #tpu.memory_space<semaphore_mem>>) src(%arg13 : memref<8192xf32, #tpu.memory_space<vmem>>) dst(%dma_wait3A_79 : memref<8192xf32, #tpu.memory_space<hbm>>)
    return
  }
}

</mosaic_0001>

<sc_bundles>
// kernel: kernel.3.cloned.1.call-start
scs
__scs_entry_jumppad:
0x0: {  	(pc) =	sbr.rel $0x88, $3  }
0x1: {  	(tag) =	ssettag $0x0;
	lr =	simm.s32 $0x1  }
0x2: {  	[smem:$0x3F9C] =	sst lr;
	_ =	strace $0xD0000000  }
0x3: {  	_ = 	snop  }
0x4: {  	_ = 	snop  }
0x5: {  	_ = 	snop  }
0x6: {  	_ = 	snop  }
0x7: {  	_ = 	snop  }
__scs_overlays_trampoline_lowered:
0x8: {  	[smem:$0x3FAB] =	sst s0  }
0x9: {  	[smem:$0x3FAC] =	sst s1  }
0xa: {  	[smem:$0x3FAD] =	sst s2  }
0xb: {  	[smem:$0x3FAE] =	sst s3  }
0xc: {  	[smem:$0x3FAF] =	sst s4  }
0xd: {  	[smem:$0x3FB0] =	sst s5  }
0xe: {  	[smem:$0x3FB1] =	sst s6  }
0xf: {  	[smem:$0x3FB2] =	sst s7  }
0x10: {  	[smem:$0x3FB3] =	sst s8  }
0x11: {  	[smem:$0x3FB4] =	sst s9;
	s0 =	simm.s32 @!p0 $0x0  }
0x12: {  	s1 =	sld [smem:$0x3F9A];
	s0 =	simm.s32 @p0 $0x1  }
0x13: {  	[smem:$0x3FB5] =	sst s0;
	s0 =	simm.s32 @!p1 $0x0  }
0x14: {  	s2 =	sld [smem:$0x3F99];
	s0 =	simm.s32 @p1 $0x1  }
0x15: {  	[smem:$0x3FB6] =	sst s0;
	s0 =	simm.s32 @!p2 $0x0  }
0x16: {  	s3 =	sld [smem:$0x3FDB];
	s0 =	simm.s32 @p2 $0x1  }
0x17: {  	s4 =	simm.s32 $0x1BF5;
	[smem:$0x3FB8] =	sst s0  }
0x18: {  	s0 =	sld [smem:$0x3F9B];
	_ =	swait.ge [sflag:s4], $0x0  }
0x19: {  	s7 =	sld [smem:$0x3F9C]  }
0x1a: {  	s8 =	sadd.s32 $0xFFFFE003, lr  }
0x1b: {  	s9 =	sadd.s32 $0xFFFFFEF7, lr;
	s5 =	simm.s32 $0xFFFFFFFF;
	p2 =	slt.u32 s8, $0xFFFFF086  }
0x1c: {  	p1 =	slt.u32 s9, $0xF7A;
	s5 =	simm.s32 @!p2 $0x0  }
0x1d: {  	s5 =	simm.s32 @p1 $0x1;
	p0 =	seq.s32 s7, s2  }
0x1e: {  	s7 =	smul.u32 @!p0 $0xF7A, s2;
	p2 =	seq.s32 @!p0 s5, $0x0  }
0x1f: {  	s9 =	smul.u32 $0xF7A, s1;
	s8 =	simm.s32 @!p0 $0x1BF5;
	p2 =	por !p2, p0  }
0x20: {  	[sflag:s8] =	ssyncset.s32 @!p0 $0xFFFFF086;
	s6 =	sadd.s32 @!p0 s3, s7;
	s7 =	simm.s32 @!p0 $0x108  }
0x21: {  	s3 =	sadd.s32 s3, s9;
	s6 =	sadd.s32 @!p0 $0x88, s6;
	s7 =	simm.s32 @p2 $0x1082  }
0x22: {  	[simem:s7], [sflag:s8] =	dma.local @!p0 [hbm:s6], $0xF7A  }
0x23: {  	s9 =	sor.u32 $0xD0000000, s2;
	s6 =	simm.s32 $0x108;
	_ =	swait.ge @!p0 [sflag:s8], $0x0  }
0x24: {  	s3 =	sadd.s32 $0x88, s3;
	s6 =	simm.s32 @!p1 $0x1082;
	[sflag:s4] =	ssyncset.s32 $0xFFFFF086  }
0x25: {  	[simem:s6], [sflag:s4] =	dma.local [hbm:s3], $0xF7A  }
0x26: {  	[smem:$0x3F9C] =	sst s1;
	(tag) =	ssettag s2;
	_ =	strace s9  }
0x27: {  	s1 =	sld [smem:$0x3FAC]  }
0x28: {  	s2 =	sld [smem:$0x3FAD]  }
0x29: {  	s4 =	sld [smem:$0x3FAF]  }
0x2a: {  	p0 =	seq.s32 s5, $0x0;
	s5 =	sld [smem:$0x3FB0]  }
0x2b: {  	s6 =	sld [smem:$0x3FB1]  }
0x2c: {  	s7 =	sld [smem:$0x3FB2]  }
0x2d: {  	s3 =	simm.s32 $0x108;
	s8 =	sld [smem:$0x3FB3]  }
0x2e: {  	s3 =	simm.s32 @!p0 $0x1082;
	s9 =	sld [smem:$0x3FB4]  }
0x2f: {  	lr =	sadd.s32 s0, s3;
	s0 =	sld [smem:$0x3FAB]  }
0x30: {  	s3 =	sld [smem:$0x3FAE]  }
0x31: {  	[smem:$0x3FB7] =	sst s10  }
0x32: {  	s10 =	sld [smem:$0x3FB5];
	_ =	sdelay $0x3  }
0x33: {  	p0 =	seq.s32 s10, $0x1;
	s10 =	sld [smem:$0x3FB7];
	_ =	sdelay $0x3  }
0x34: {  	[smem:$0x3FB7] =	sst s10  }
0x35: {  	s10 =	sld [smem:$0x3FB6];
	_ =	sdelay $0x3  }
0x36: {  	p1 =	seq.s32 s10, $0x1;
	s10 =	sld [smem:$0x3FB7];
	_ =	sdelay $0x3  }
0x37: {  	[smem:$0x3FB7] =	sst s10  }
0x38: {  	s10 =	sld [smem:$0x3FB8]  }
0x39: {  	_ = 	snop;
	(pc) =	sbr.ind lr, $3  }
0x3a: {  	_ = 	snop  }
0x3b: {  	_ = 	snop  }
0x3c: {  	p2 =	seq.s32 s10, $0x1;
	s10 =	sld [smem:$0x3FB7]  }
0x3d: {  	_ =	shalt  }
0x3e: {  	_ =	shalt  }
0x3f: {  	_ =	shalt  }
0x40: {  	_ =	shalt  }
0x41: {  	_ =	shalt  }
0x42: {  	_ =	shalt  }
0x43: {  	_ =	shalt  }
0x44: {  	_ =	shalt  }
0x45: {  	_ =	shalt  }
0x46: {  	_ =	shalt  }
0x47: {  	_ =	shalt  }
0x48: {  	_ =	shalt  }
0x49: {  	_ =	shalt  }
0x4a: {  	_ =	shalt  }
0x4b: {  	_ =	shalt  }
0x4c: {  	_ =	shalt  }
0x4d: {  	_ =	shalt  }
0x4e: {  	_ =	shalt  }
0x4f: {  	_ =	shalt  }
0x50: {  	_ =	shalt  }
0x51: {  	_ =	shalt  }
0x52: {  	_ =	shalt  }
0x53: {  	_ =	shalt  }
0x54: {  	_ =	shalt  }
0x55: {  	_ =	shalt  }
0x56: {  	_ =	shalt  }
0x57: {  	_ =	shalt  }
0x58: {  	_ =	shalt  }
0x59: {  	_ =	shalt  }
0x5a: {  	_ =	shalt  }
0x5b: {  	_ =	shalt  }
0x5c: {  	_ =	shalt  }
0x5d: {  	_ =	shalt  }
0x5e: {  	_ =	shalt  }
0x5f: {  	_ =	shalt  }
0x60: {  	_ =	shalt  }
0x61: {  	_ =	shalt  }
0x62: {  	_ =	shalt  }
0x63: {  	_ =	shalt  }
0x64: {  	_ =	shalt  }
0x65: {  	_ =	shalt  }
0x66: {  	_ =	shalt  }
0x67: {  	_ =	shalt  }
0x68: {  	_ =	shalt  }
0x69: {  	_ =	shalt  }
0x6a: {  	_ =	shalt  }
0x6b: {  	_ =	shalt  }
0x6c: {  	_ =	shalt  }
0x6d: {  	_ =	shalt  }
0x6e: {  	_ =	shalt  }
0x6f: {  	_ =	shalt  }
0x70: {  	_ =	shalt  }
0x71: {  	_ =	shalt  }
0x72: {  	_ =	shalt  }
0x73: {  	_ =	shalt  }
0x74: {  	_ =	shalt  }
0x75: {  	_ =	shalt  }
0x76: {  	_ =	shalt  }
0x77: {  	_ =	shalt  }
0x78: {  	_ =	shalt  }
0x79: {  	_ =	shalt  }
0x7a: {  	_ =	shalt  }
0x7b: {  	_ =	shalt  }
0x7c: {  	_ =	shalt  }
0x7d: {  	_ =	shalt  }
0x7e: {  	_ =	shalt  }
0x7f: {  	_ =	shalt  }
0x80: {  	_ =	shalt  }
0x81: {  	_ =	shalt  }
0x82: {  	_ =	shalt  }
0x83: {  	_ =	shalt  }
0x84: {  	_ =	shalt  }
0x85: {  	_ =	shalt  }
0x86: {  	_ =	shalt  }
0x87: {  	_ =	shalt  }
.Lfunc_end0:
.L_simem_size_0:
called_computation_lowered:
.L_overlay_start_0:
0x88: {  	s2 =	sld [smem:$0x3FD9]  }
0x89: {  	s3 =	sld [smem:$0x3FFE];
	_ =	sdelay $0x1  }
0x8a: {  	s1 =	srdreg.scid  }
0x8b: {  	s0 =	sand.u32 $0x1, s1  }
0x8c: {  	s18 =	sshll.u32 s0, $0xA;
	s2 =	sadd.s32 s3, s2  }
0x8d: {  	s2 =	sadd.s32 s2, s18  }
0x8e: {  	[smem:$0x3FC3] =	sst s2  }
0x8f: {  	_ = 	snop  }
0x90: {  	s2 =	sld [smem:$0x3FC9]  }
0x91: {  	s19 =	sld [smem:$0x3FC8]  }
0x92: {  	s4 =	sld [smem:$0x3FC7]  }
0x93: {  	s5 =	sld [smem:$0x3FC6]  }
0x94: {  	s6 =	sld [smem:$0x3FC5]  }
0x95: {  	s7 =	sld [smem:$0x3FD0];
	(tm) =	ssettm $0x1  }
0x96: {  	s8 =	sld [smem:$0x3FFB];
	_ =	sdelay $0x3  }
0x97: {  	_ =	strace s8  }
0x98: {  	s8 =	sld [smem:$0x3FFC];
	_ =	sdelay $0x3  }
0x99: {  	_ =	strace s8  }
0x9a: {  	s8 =	sld [smem:$0x3FFD];
	_ =	sdelay $0x3  }
0x9b: {  	_ =	strace s8  }
0x9c: {  	_ =	strace $0x8FFFFFFF  }
0x9d: {  	s20 =	sld [smem:$0x3FDB];
	_ =	sdelay $0x1  }
0x9e: {  	s9 =	simm.s32 $_scs_section_size  }
0x9f: {  	s10 =	simm.s32 $_size__tile_overlayer_lowered;
	s11 =	simm.s32 $_tile_overlayer_lowered  }
0xa0: {  	s23 =	simm.s32 $0x1BFF;
	s22 =	sshll.u32 s11, $0x1;
	s8 =	sadd.s32 s9, s20  }
0xa1: {  	s12 =	simm.s32 $0x0;
	s21 =	sshll.u32 s10, $0x1;
	s10 =	sadd.s32 s22, s8  }
0xa2: {  	[timem:s12], [sflag:s23] =	dma.local [hbm:s10], s21  }
0xa3: {  	_ =	swait.ge [sflag:s23], s21  }
0xa4: {  	s9 =	ssub.s32 $0x0, s21;
	[sflag:s23] =	ssyncset.done $0x0  }
0xa5: {  	[sflag:s23] =	ssyncadd.s32 s9;
	_ =	sdelay $0x1  }
0xa6: {  	s24 =	simm.s32 $0x1B8B  }
0xa7: {  	_ =	swait.ge [sflag:s24], $0x1  }
0xa8: {  	[sflag:s24] =	ssyncset.done $0x0  }
0xa9: {  	s25 =	simm.s32 $0x1B8E;
	[sflag:s24] =	ssyncadd.s32 $0xFFFFFFFF  }
0xaa: {  	s26 =	simm.s32 $execute0_lowered;
	[smem:$0x3FD2] =	sst s25  }
0xab: {  	s9 =	sshll.u32 s26, $0x1;
	_ =	strace $0x80000046;
	[dreg:$0x1] =	wrdreg $0xFFFFFFFF  }
0xac: {  	s28 =	simm.s32 $_size_execute0_lowered;
	s8 =	sadd.s32 s8, s9;
	[dreg:$0x0] =	wrdreg $0x0  }
0xad: {  	s9 =	sshll.u32 s28, $0x1;
	[dreg:$0x2] =	wrdreg s8  }
0xae: {  	[dreg:$0x3] =	wrdreg s9  }
0xaf: {  	[dreg:$0x4] =	wrdreg $0xC0  }
0xb0: {  	_ =	task [dreg:s12], $0x5FFFF  }
0xb1: {  	[dreg:$0x1] =	wrdreg $0xFFFFFFFF  }
0xb2: {  	[dreg:$0x0] =	wrdreg $0x60  }
0xb3: {  	[dreg:$0x2] =	wrdreg s2  }
0xb4: {  	[dreg:$0x3] =	wrdreg s19  }
0xb5: {  	[dreg:$0x4] =	wrdreg s6  }
0xb6: {  	[dreg:$0x5] =	wrdreg s4  }
0xb7: {  	[dreg:$0x6] =	wrdreg s5  }
0xb8: {  	[dreg:$0x7] =	wrdreg s7  }
0xb9: {  	[dreg:$0x8] =	wrdreg $0x9  }
0xba: {  	_ =	task.clear_ibuf [dreg:s12], $0x9FFFF;
	_ =	strace $0x90000046  }
0xbb: {  	s29 =	simm.s32 $0x9;
	_ =	strace $0x80000048  }
0xbc: {  	_ =	swait.ge [sflag:s29], $0x1  }
0xbd: {  	[sflag:s29] =	ssyncadd.s32 $0xFFFFFFFF  }
0xbe: {  	_ =	strace $0x90000048  }
0xbf: {  	_ =	sfence  }
0xc0: {  	s30 =	sld [smem:$0x0];
	_ =	sdelay $0x2  }
0xc1: {  	s31 =	sshll.u32 s1, $0xD;
	s1 =	sshrl.u32 s1, $0x2  }
0xc2: {  	s3 =	sand.u32 $0x4000, s31;
	s1 =	sadd.s32 s1, s30  }
0xc3: {  	s0 =	sor.u32 s3, s0;
	s1 =	sshll.u32 s1, $0x11  }
0xc4: {  	s0 =	sor.u32 s1, s0  }
0xc5: {  	s0 =	sadd.s32 $0x8F2B, s0  }
0xc6: {  	[sflag:s0] =	ssyncadd.remote.s32 $0x1  }
0xc7: {  	_ =	sfence.sel $0xFFFF  }
0xc8: {  	[dreg:$0x0] =	wrdreg $0xFFFFFFFF;
	(pc) =	sbr.abs _section_cstart, $3  }
0xc9: {  	[dreg:$0x1] =	wrdreg $0xFFFFFFFF  }
0xca: {  	_ =	task.clear_ibuf [dreg:s12], $0x2FFFF;
	_ =	strace $0x9FFFFFFF  }
0xcb: {  	(tm) =	ssettm $0x7FFFFFFF  }
tec
execute0_lowered:
.L_overlay_start_1:
0x0: {  	(tag) =	ssettag $0x1  }
0x1: {  	s0 =	rddreg [dreg:$0x0]  }
0x2: {  	s1 =	rddreg [dreg:$0x1]  }
0x3: {  	s2 =	rddreg [dreg:$0x5];
	s3 =	srdreg.scid;
	s5 =	simm.s32 $0x0  }
0x4: {  	s6 =	stileid.u32;
	s21 =	simm.s32 $0x7;
	s22 =	simm.s32 $0xC080  }
0x5: {  	s28 =	simm.s32 $0x3;
	s29 =	simm.s32 $0xC180;
	s30 =	simm.s32 $0xC200  }
0x6: {  	s31 =	simm.s32 $0x8000;
	s20 =	simm.s32 $0x0;
	s3 =	sand.u32 $0x1, s3  }
0x7: {  	s6 =	sshll.u32 s6, $0xD;
	s4 =	ssub.s32 $0x2, s3;
	s3 =	sshll.u32 s3, $0xC  }
0x8: {  	[smem:$0x7FF] =	sst s5;
	s7 =	sshrl.u32 s4, $0x1;
	s3 =	sor.u32 s3, s6  }
0x9: {  	_ =	strace $0x80000047;
	s4 =	ssub.s32 s4, s7;
	s6 =	sor.u32 $0x400, s3  }
0xa: {  	s23 =	sadd.s32 s0, s3;
	s24 =	sadd.s32 s1, s3;
	s10 =	sadd.s32 s2, s3  }
0xb: {  	s26 =	sor.u32 $0x800, s3;
	s3 =	sor.u32 $0xC00, s3;
	[dreg:$0x7] =	wrdreg s23  }
0xc: {  	[dreg:$0x8] =	wrdreg s24;
	s25 =	sadd.s32 s0, s6;
	s9 =	sadd.s32 s1, s6  }
0xd: {  	s11 =	sadd.s32 s0, s26;
	s12 =	sadd.s32 s1, s26;
	s13 =	sadd.s32 s2, s6  }
0xe: {  	s14 =	sadd.s32 s0, s3;
	s15 =	sadd.s32 s1, s3;
	s16 =	sadd.s32 s2, s26  }
0xf: {  	s17 =	sadd.s32 s2, s3;
	s18 =	smax.u32 s4, $0x1;
	s23 =	simm.s32 $0xC100  }
0x10: {  	s24 =	simm.s32 $0x2000;
	s26 =	simm.s32 $0x1;
	s0 =	simm.s32 $0x2  }
0x11: {  	s4 =	simm.s32 $0x4;
	s1 =	simm.s32 $0xA000;
	s2 =	simm.s32 $0x5  }
0x12: {  	s3 =	simm.s32 $0x6;
	[dreg:$0x9] =	wrdreg s25;
	s25 =	simm.s32 $0x6000  }
.LBB2_1:
0x13: {  	s6 =	rddreg [dreg:$0x7]  }
0x14: {  	[tilespmem:s5], [sflag:$0x1] =	stream.linear.gather [hbm4b:s6+s5], $0x2000, $0x38;
	[tilespmem:$0xC280] =	vst v63  }
0x15: {  	s19 =	rddreg [dreg:$0x8];
	s7 =	simm.s32 $0x4000  }
0x16: {  	[tilespmem:s7], [sflag:$0x3] =	stream.linear.gather [hbm4b:s19+s5], $0x2000, $0x38;
	[tilespmem:$0xC280] =	vst v63  }
0x17: {  	s8 =	simm.s32 $0xC000;
	s7 =	rddreg [dreg:$0x2]  }
0x18: {  	[tilespmem:s8], [sflag:$0x7] =	stream.linear.gather [hbm4b:s7+s5], $0x64, $0x38;
	[tilespmem:$0xC280] =	vst v63  }
0x19: {  	_ =	swait.ge [sflag:s21], $0x64  }
0x1a: {  	[sflag:s21] =	ssyncset.done $0x0  }
0x1b: {  	[sflag:s21] =	ssyncadd.s32 $0xFFFFFF9C  }
0x1c: {  	s19 =	rddreg [dreg:$0x3]  }
0x1d: {  	[tilespmem:s22], [sflag:$0x7] =	stream.linear.gather [hbm4b:s19+s5], $0x64, $0x38;
	[tilespmem:$0xC280] =	vst v63  }
0x1e: {  	_ =	swait.ge [sflag:s21], $0x64  }
0x1f: {  	[sflag:s21] =	ssyncset.done $0x0  }
0x20: {  	[sflag:s21] =	ssyncadd.s32 $0xFFFFFF9C  }
0x21: {  	s7 =	rddreg [dreg:$0x4]  }
0x22: {  	[tilespmem:s23], [sflag:$0x7] =	stream.linear.gather [hbm4b:s7+s5], $0x64, $0x38;
	[tilespmem:$0xC280] =	vst v63  }
0x23: {  	_ =	swait.ge [sflag:s21], $0x64  }
0x24: {  	[sflag:s21] =	ssyncset.done $0x0  }
0x25: {  	[sflag:s21] =	ssyncadd.s32 $0xFFFFFF9C  }
0x26: {  	v0 =	vld [tilespmem:$0xC000];
	_ =	sdelay $0x4  }
0x27: {  	vm0 =	vgt.s32 v0, $0x0  }
0x28: {  	v0 =	vnsel vm0, $0x0, v0  }
0x29: {  	v0 =	vmin.u32 v0, $0x63;
	_ =	sdelay $0x3  }
0x2a: {  	v2 =	vld [tilespmem:$0xC010]  }
0x2b: {  	v1 =	vld.idx.msk [tilespmem:v0+s22+$0x0], $0xffff;
	_ =	sdelay $0x4  }
0x2c: {  	vm9 =	vgt.s32 v2, $0x0;
	[tilespmem:$0xC180] =	vst v1  }
0x2d: {  	v1 =	vnsel vm9, $0x0, v2;
	v0 =	vld.idx.msk [tilespmem:v0+s23+$0x0], $0xffff  }
0x2e: {  	v1 =	vmin.u32 v1, $0x63;
	_ =	sdelay $0x3  }
0x2f: {  	v2 =	vld [tilespmem:$0xC020];
	[tilespmem:$0xC200] =	vst v0  }
0x30: {  	v0 =	vld.idx.msk [tilespmem:v1+s22+$0x0], $0xffff;
	_ =	sdelay $0x4  }
0x31: {  	vm10 =	vgt.s32 v2, $0x0;
	[tilespmem:$0xC190] =	vst v0  }
0x32: {  	v0 =	vld.idx.msk [tilespmem:v1+s23+$0x0], $0xffff;
	v1 =	vnsel vm10, $0x0, v2  }
0x33: {  	v1 =	vmin.u32 v1, $0x63;
	_ =	sdelay $0x3  }
0x34: {  	v2 =	vld [tilespmem:$0xC030];
	[tilespmem:$0xC210] =	vst v0  }
0x35: {  	v0 =	vld.idx.msk [tilespmem:v1+s22+$0x0], $0xffff;
	_ =	sdelay $0x4  }
0x36: {  	vm11 =	vgt.s32 v2, $0x0;
	[tilespmem:$0xC1A0] =	vst v0  }
0x37: {  	v0 =	vld.idx.msk [tilespmem:v1+s23+$0x0], $0xffff;
	v1 =	vnsel vm11, $0x0, v2  }
0x38: {  	v1 =	vmin.u32 v1, $0x63;
	_ =	sdelay $0x3  }
0x39: {  	v2 =	vld [tilespmem:$0xC040];
	[tilespmem:$0xC220] =	vst v0  }
0x3a: {  	v0 =	vld.idx.msk [tilespmem:v1+s22+$0x0], $0xffff;
	_ =	sdelay $0x4  }
0x3b: {  	vm12 =	vgt.s32 v2, $0x0;
	[tilespmem:$0xC1B0] =	vst v0  }
0x3c: {  	v0 =	vld.idx.msk [tilespmem:v1+s23+$0x0], $0xffff;
	v1 =	vnsel vm12, $0x0, v2  }
0x3d: {  	v1 =	vmin.u32 v1, $0x63;
	_ =	sdelay $0x3  }
0x3e: {  	v2 =	vld [tilespmem:$0xC050];
	[tilespmem:$0xC230] =	vst v0  }
0x3f: {  	v0 =	vld.idx.msk [tilespmem:v1+s22+$0x0], $0xffff;
	_ =	sdelay $0x4  }
0x40: {  	vm13 =	vgt.s32 v2, $0x0;
	[tilespmem:$0xC1C0] =	vst v0  }
0x41: {  	v0 =	vld.idx.msk [tilespmem:v1+s23+$0x0], $0xffff;
	v1 =	vnsel vm13, $0x0, v2  }
0x42: {  	v1 =	vmin.u32 v1, $0x63;
	_ =	sdelay $0x3  }
0x43: {  	v2 =	vld [tilespmem:$0xC060];
	[tilespmem:$0xC240] =	vst v0  }
0x44: {  	v0 =	vld.idx.msk [tilespmem:v1+s22+$0x0], $0xffff;
	_ =	sdelay $0x4  }
0x45: {  	vm14 =	vgt.s32 v2, $0x0;
	[tilespmem:$0xC1D0] =	vst v0  }
0x46: {  	v0 =	vld.idx.msk [tilespmem:v1+s23+$0x0], $0xffff;
	v1 =	vnsel vm14, $0x0, v2  }
0x47: {  	v1 =	vmin.u32 v1, $0x63;
	_ =	sdelay $0x3  }
0x48: {  	v2 =	vld [tilespmem:$0xC070];
	[tilespmem:$0xC250] =	vst v0  }
0x49: {  	v0 =	vld.idx.msk [tilespmem:v1+s22+$0x0], $0xffff;
	_ =	sdelay $0x4  }
0x4a: {  	vm15 =	vgt.s32 v2, $0x0;
	[tilespmem:$0xC1E0] =	vst v0  }
0x4b: {  	v0 =	vld.idx.msk [tilespmem:v1+s23+$0x0], $0xffff;
	v1 =	vnsel vm15, $0x0, v2  }
0x4c: {  	v1 =	vmin.u32 v1, $0x63;
	_ =	sdelay $0x3  }
0x4d: {  	[tilespmem:$0xC260] =	vst v0  }
0x4e: {  	v0 =	vld.idx.msk [tilespmem:v1+s22+$0x0], $0xffff;
	_ =	sdelay $0x4  }
0x4f: {  	[tilespmem:$0xC1F0] =	vst v0  }
0x50: {  	v0 =	vld.idx.msk [tilespmem:v1+s23+$0x0], $0xffff;
	_ =	sdelay $0x4  }
0x51: {  	s8 =	rddreg [dreg:$0x9];
	[tilespmem:$0xC270] =	vst v0  }
0x52: {  	[tilespmem:s24], [sflag:$0x2] =	stream.linear.gather [hbm4b:s8+s5], $0x2000, $0x38;
	[tilespmem:$0xC280] =	vst v63  }
0x53: {  	_ = 	snop  }
0x54: {  	[tilespmem:s25], [sflag:$0x4] =	stream.linear.gather [hbm4b:s9+s5], $0x2000, $0x38;
	[tilespmem:$0xC280] =	vst v63  }
0x55: {  	_ =	swait.ge [sflag:s26], $0x2000  }
0x56: {  	[sflag:s26] =	ssyncset.done $0x0  }
0x57: {  	[sflag:s26] =	ssyncadd.s32 $0xFFFFE000  }
0x58: {  	_ =	swait.ge [sflag:s28], $0x2000  }
0x59: {  	[sflag:s28] =	ssyncset.done $0x0  }
0x5a: {  	s19 =	simm.s32 $0x40;
	[sflag:s28] =	ssyncadd.s32 $0xFFFFE000  }
0x5b: {  	v0 =	vld [tilespmem:s19+$0x30]  }
0x5c: {  	v1 =	vld [tilespmem:s19+$0xFFFFFFD0]  }
0x5d: {  	v2 =	vld [tilespmem:s19+$0xFFFFFFE0]  }
0x5e: {  	v4 =	vld [tilespmem:s19+$0xFFFFFFF0]  }
0x5f: {  	v6 =	vld [tilespmem:s19+$0x0]  }
0x60: {  	v9 =	vld [tilespmem:s19+$0x10]  }
0x61: {  	v11 =	vld [tilespmem:s19+$0x20]  }
0x62: {  	s6 =	simm.s32 $0x4040;
	v3 =	vld [tilespmem:s19+$0xFFFFFFC0]  }
0x63: {  	v7 =	vld [tilespmem:s6+$0x30]  }
0x64: {  	v18 =	vld [tilespmem:s6+$0xFFFFFFC0]  }
0x65: {  	v19 =	vld [tilespmem:s6+$0xFFFFFFD0]  }
0x66: {  	v20 =	vld [tilespmem:s6+$0xFFFFFFE0]  }
0x67: {  	v21 =	vld [tilespmem:s6+$0xFFFFFFF0]  }
0x68: {  	v22 =	vld [tilespmem:s6+$0x0]  }
0x69: {  	v23 =	vld [tilespmem:s6+$0x10]  }
0x6a: {  	v24 =	vld [tilespmem:s6+$0x20]  }
0x6b: {  	v5 =	vld.idx.msk [tilespmem:v0+s29+$0x0], $0xffff  }
0x6c: {  	v0 =	vld.idx.msk [tilespmem:v0+s30+$0x0], $0xffff  }
0x6d: {  	v8 =	vld.idx.msk [tilespmem:v1+s29+$0x0], $0xffff  }
0x6e: {  	v12 =	vld.idx.msk [tilespmem:v2+s29+$0x0], $0xffff  }
0x6f: {  	v13 =	vld.idx.msk [tilespmem:v4+s29+$0x0], $0xffff  }
0x70: {  	v14 =	vld.idx.msk [tilespmem:v6+s29+$0x0], $0xffff  }
0x71: {  	v15 =	vld.idx.msk [tilespmem:v3+s29+$0x0], $0xffff  }
0x72: {  	v16 =	vld.idx.msk [tilespmem:v9+s29+$0x0], $0xffff  }
0x73: {  	v17 =	vld.idx.msk [tilespmem:v11+s29+$0x0], $0xffff  }
0x74: {  	v25 =	vld.idx.msk [tilespmem:v3+s30+$0x0], $0xffff  }
0x75: {  	v10 =	vld.idx.msk [tilespmem:v1+s30+$0x0], $0xffff  }
0x76: {  	v3 =	vld.idx.msk [tilespmem:v2+s30+$0x0], $0xffff  }
0x77: {  	v9 =	vld.idx.msk [tilespmem:v9+s30+$0x0], $0xffff;
	v5 =	vmul.f32 v7, v5  }
0x78: {  	v15 =	vmul.f32 v18, v15;
	v7 =	vld.idx.msk [tilespmem:v6+s30+$0x0], $0xffff  }
0x79: {  	v8 =	vmul.f32 v19, v8;
	v6 =	vmul.f32 v21, v13;
	v0 =	vadd.f32 v5, v0;
	v5 =	vld.idx.msk [tilespmem:v4+s30+$0x0], $0xffff  }
0x7a: {  	s7 =	simm.s32 $0x8040;
	v11 =	vld.idx.msk [tilespmem:v11+s30+$0x0], $0xffff;
	v1 =	vmul.f32 v22, v14;
	v2 =	vmul.f32 v23, v16  }
0x7b: {  	s8 =	simm.s32 $0x0;
	s19 =	simm.s32 $0xC0;
	v4 =	vmul.f32 v20, v12;
	v12 =	vadd.f32 v15, v25;
	[tilespmem:s7+$0x30] =	vst v0;
	v0 =	vmul.f32 v24, v17  }
.LBB2_2:
0x7c: {  	v13 =	vld [tilespmem:s19+$0x30];
	s8 =	sadd.s32 $0x8, s8;
	v8 =	vadd.f32 v8, v10  }
0x7d: {  	v3 =	vadd.f32 v4, v3;
	v10 =	vld [tilespmem:s19+$0xFFFFFFD0];
	p0 =	slt.u32 s8, $0x1F8;
	[tilespmem:s7+$0xFFFFFFC0] =	vst v12  }
0x7e: {  	v4 =	vadd.f32 v6, v5;
	v12 =	vld [tilespmem:s19+$0xFFFFFFE0];
	[tilespmem:s7+$0xFFFFFFD0] =	vst v8  }
0x7f: {  	v1 =	vadd.f32 v1, v7;
	v5 =	vld [tilespmem:s19+$0xFFFFFFF0];
	[tilespmem:s7+$0xFFFFFFE0] =	vst v3  }
0x80: {  	v2 =	vadd.f32 v2, v9;
	v7 =	vld [tilespmem:s19+$0x0];
	[tilespmem:s7+$0xFFFFFFF0] =	vst v4  }
0x81: {  	v0 =	vadd.f32 v0, v11;
	v9 =	vld [tilespmem:s19+$0x10];
	[tilespmem:s7+$0x0] =	vst v1  }
0x82: {  	v11 =	vld [tilespmem:s19+$0x20];
	[tilespmem:s7+$0x10] =	vst v2  }
0x83: {  	v1 =	vld [tilespmem:s19+$0xFFFFFFC0];
	[tilespmem:s7+$0x20] =	vst v0  }
0x84: {  	s6 =	sadd.s32 $0x80, s6;
	v0 =	vld.idx.msk [tilespmem:v13+s29+$0x0], $0xffff  }
0x85: {  	v2 =	vld [tilespmem:s6+$0x30]  }
0x86: {  	v3 =	vld.idx.msk [tilespmem:v13+s30+$0x0], $0xffff  }
0x87: {  	v4 =	vld.idx.msk [tilespmem:v10+s29+$0x0], $0xffff  }
0x88: {  	v6 =	vld.idx.msk [tilespmem:v12+s29+$0x0], $0xffff  }
0x89: {  	v13 =	vld.idx.msk [tilespmem:v5+s29+$0x0], $0xffff  }
0x8a: {  	v14 =	vld.idx.msk [tilespmem:v7+s29+$0x0], $0xffff;
	v0 =	vmul.f32 v2, v0  }
0x8b: {  	v2 =	vld.idx.msk [tilespmem:v1+s29+$0x0], $0xffff  }
0x8c: {  	v15 =	vld.idx.msk [tilespmem:v9+s29+$0x0], $0xffff;
	v0 =	vadd.f32 v0, v3  }
0x8d: {  	s7 =	sadd.s32 $0x80, s7;
	v16 =	vld.idx.msk [tilespmem:v11+s29+$0x0], $0xffff  }
0x8e: {  	v3 =	vld [tilespmem:s6+$0xFFFFFFC0];
	[tilespmem:s7+$0x30] =	vst v0  }
0x8f: {  	v0 =	vld [tilespmem:s6+$0xFFFFFFD0]  }
0x90: {  	v17 =	vld [tilespmem:s6+$0xFFFFFFE0]  }
0x91: {  	v18 =	vld [tilespmem:s6+$0xFFFFFFF0]  }
0x92: {  	v19 =	vld [tilespmem:s6+$0x0]  }
0x93: {  	v20 =	vmul.f32 v3, v2;
	v2 =	vld [tilespmem:s6+$0x10]  }
0x94: {  	v8 =	vmul.f32 v0, v4;
	v0 =	vld [tilespmem:s6+$0x20]  }
0x95: {  	v21 =	vld.idx.msk [tilespmem:v1+s30+$0x0], $0xffff;
	v4 =	vmul.f32 v17, v6  }
0x96: {  	v10 =	vld.idx.msk [tilespmem:v10+s30+$0x0], $0xffff;
	v6 =	vmul.f32 v18, v13  }
.Ltmp0:
0x97: {  	v3 =	vld.idx.msk [tilespmem:v12+s30+$0x0], $0xffff;
	v1 =	vmul.f32 v19, v14;
	(pc) =	sbr.rel @p0 .LBB2_2-.Ltmp0, $4  }
0x98: {  	v5 =	vld.idx.msk [tilespmem:v5+s30+$0x0], $0xffff;
	v2 =	vmul.f32 v2, v15  }
0x99: {  	v7 =	vld.idx.msk [tilespmem:v7+s30+$0x0], $0xffff;
	v0 =	vmul.f32 v0, v16  }
0x9a: {  	v9 =	vld.idx.msk [tilespmem:v9+s30+$0x0], $0xffff  }
0x9b: {  	s19 =	sadd.s32 $0x80, s19;
	v12 =	vadd.f32 v20, v21;
	v11 =	vld.idx.msk [tilespmem:v11+s30+$0x0], $0xffff  }
0x9c: {  	v8 =	vadd.f32 v8, v10  }
0x9d: {  	v3 =	vadd.f32 v4, v3;
	[tilespmem:s7+$0xFFFFFFC0] =	vst v12  }
0x9e: {  	v4 =	vadd.f32 v6, v5;
	[tilespmem:s7+$0xFFFFFFD0] =	vst v8  }
0x9f: {  	[tilespmem:s7+$0xFFFFFFE0] =	vst v3;
	v1 =	vadd.f32 v1, v7  }
0xa0: {  	[tilespmem:s7+$0xFFFFFFF0] =	vst v4;
	v2 =	vadd.f32 v2, v9  }
0xa1: {  	[tilespmem:s7+$0x0] =	vst v1;
	v0 =	vadd.f32 v0, v11  }
0xa2: {  	[tilespmem:s7+$0x10] =	vst v2  }
0xa3: {  	[tilespmem:s7+$0x20] =	vst v0  }
0xa4: {  	[hbm4b:s10+s5] =	stream.linear.scatter [tilespmem:s31], [sflag:$0x5], $0x2000, $0x38;
	[tilespmem:$0xC280] =	vst v63  }
0xa5: {  	_ = 	snop  }
0xa6: {  	[tilespmem:s5], [sflag:$0x1] =	stream.linear.gather [hbm4b:s11+s5], $0x2000, $0x38;
	[tilespmem:$0xC280] =	vst v63  }
0xa7: {  	s6 =	simm.s32 $0x4000  }
0xa8: {  	[tilespmem:s6], [sflag:$0x3] =	stream.linear.gather [hbm4b:s12+s5], $0x2000, $0x38;
	[tilespmem:$0xC280] =	vst v63  }
0xa9: {  	_ =	swait.ge [sflag:s0], $0x2000  }
0xaa: {  	[sflag:s0] =	ssyncset.done $0x0  }
0xab: {  	[sflag:s0] =	ssyncadd.s32 $0xFFFFE000  }
0xac: {  	_ =	swait.ge [sflag:s4], $0x2000  }
0xad: {  	[sflag:s4] =	ssyncset.done $0x0  }
0xae: {  	s19 =	simm.s32 $0x2040;
	[sflag:s4] =	ssyncadd.s32 $0xFFFFE000  }
0xaf: {  	v0 =	vld [tilespmem:s19+$0x30]  }
0xb0: {  	v1 =	vld [tilespmem:s19+$0xFFFFFFD0]  }
0xb1: {  	v2 =	vld [tilespmem:s19+$0xFFFFFFE0]  }
0xb2: {  	v4 =	vld [tilespmem:s19+$0xFFFFFFF0]  }
0xb3: {  	v6 =	vld [tilespmem:s19+$0x0]  }
0xb4: {  	v9 =	vld [tilespmem:s19+$0x10]  }
0xb5: {  	v11 =	vld [tilespmem:s19+$0x20]  }
0xb6: {  	s6 =	simm.s32 $0x6040;
	v3 =	vld [tilespmem:s19+$0xFFFFFFC0]  }
0xb7: {  	v7 =	vld [tilespmem:s6+$0x30]  }
0xb8: {  	v18 =	vld [tilespmem:s6+$0xFFFFFFC0]  }
0xb9: {  	v19 =	vld [tilespmem:s6+$0xFFFFFFD0]  }
0xba: {  	v20 =	vld [tilespmem:s6+$0xFFFFFFE0]  }
0xbb: {  	v21 =	vld [tilespmem:s6+$0xFFFFFFF0]  }
0xbc: {  	v22 =	vld [tilespmem:s6+$0x0]  }
0xbd: {  	v23 =	vld [tilespmem:s6+$0x10]  }
0xbe: {  	v24 =	vld [tilespmem:s6+$0x20]  }
0xbf: {  	v5 =	vld.idx.msk [tilespmem:v0+s29+$0x0], $0xffff  }
0xc0: {  	v0 =	vld.idx.msk [tilespmem:v0+s30+$0x0], $0xffff  }
0xc1: {  	v8 =	vld.idx.msk [tilespmem:v1+s29+$0x0], $0xffff  }
0xc2: {  	v12 =	vld.idx.msk [tilespmem:v2+s29+$0x0], $0xffff  }
0xc3: {  	v13 =	vld.idx.msk [tilespmem:v4+s29+$0x0], $0xffff  }
0xc4: {  	v14 =	vld.idx.msk [tilespmem:v6+s29+$0x0], $0xffff  }
0xc5: {  	v15 =	vld.idx.msk [tilespmem:v3+s29+$0x0], $0xffff  }
0xc6: {  	v16 =	vld.idx.msk [tilespmem:v9+s29+$0x0], $0xffff  }
0xc7: {  	v17 =	vld.idx.msk [tilespmem:v11+s29+$0x0], $0xffff  }
0xc8: {  	v25 =	vld.idx.msk [tilespmem:v3+s30+$0x0], $0xffff  }
0xc9: {  	v10 =	vld.idx.msk [tilespmem:v1+s30+$0x0], $0xffff  }
0xca: {  	v3 =	vld.idx.msk [tilespmem:v2+s30+$0x0], $0xffff  }
0xcb: {  	v9 =	vld.idx.msk [tilespmem:v9+s30+$0x0], $0xffff;
	v5 =	vmul.f32 v7, v5  }
0xcc: {  	v15 =	vmul.f32 v18, v15;
	v7 =	vld.idx.msk [tilespmem:v6+s30+$0x0], $0xffff  }
0xcd: {  	v8 =	vmul.f32 v19, v8;
	v6 =	vmul.f32 v21, v13;
	v0 =	vadd.f32 v5, v0;
	v5 =	vld.idx.msk [tilespmem:v4+s30+$0x0], $0xffff  }
0xce: {  	s7 =	simm.s32 $0xA040;
	v11 =	vld.idx.msk [tilespmem:v11+s30+$0x0], $0xffff;
	v1 =	vmul.f32 v22, v14;
	v2 =	vmul.f32 v23, v16  }
0xcf: {  	s8 =	simm.s32 $0x0;
	s19 =	simm.s32 $0x20C0;
	v4 =	vmul.f32 v20, v12;
	v12 =	vadd.f32 v15, v25;
	[tilespmem:s7+$0x30] =	vst v0;
	v0 =	vmul.f32 v24, v17  }
.LBB2_4:
0xd0: {  	v13 =	vld [tilespmem:s19+$0x30];
	s8 =	sadd.s32 $0x8, s8;
	v8 =	vadd.f32 v8, v10  }
0xd1: {  	v3 =	vadd.f32 v4, v3;
	v10 =	vld [tilespmem:s19+$0xFFFFFFD0];
	p0 =	slt.u32 s8, $0x1F8;
	[tilespmem:s7+$0xFFFFFFC0] =	vst v12  }
0xd2: {  	v4 =	vadd.f32 v6, v5;
	v12 =	vld [tilespmem:s19+$0xFFFFFFE0];
	[tilespmem:s7+$0xFFFFFFD0] =	vst v8  }
0xd3: {  	v1 =	vadd.f32 v1, v7;
	v5 =	vld [tilespmem:s19+$0xFFFFFFF0];
	[tilespmem:s7+$0xFFFFFFE0] =	vst v3  }
0xd4: {  	v2 =	vadd.f32 v2, v9;
	v7 =	vld [tilespmem:s19+$0x0];
	[tilespmem:s7+$0xFFFFFFF0] =	vst v4  }
0xd5: {  	v0 =	vadd.f32 v0, v11;
	v9 =	vld [tilespmem:s19+$0x10];
	[tilespmem:s7+$0x0] =	vst v1  }
0xd6: {  	v11 =	vld [tilespmem:s19+$0x20];
	[tilespmem:s7+$0x10] =	vst v2  }
0xd7: {  	v1 =	vld [tilespmem:s19+$0xFFFFFFC0];
	[tilespmem:s7+$0x20] =	vst v0  }
0xd8: {  	s6 =	sadd.s32 $0x80, s6;
	v0 =	vld.idx.msk [tilespmem:v13+s29+$0x0], $0xffff  }
0xd9: {  	v2 =	vld [tilespmem:s6+$0x30]  }
0xda: {  	v3 =	vld.idx.msk [tilespmem:v13+s30+$0x0], $0xffff  }
0xdb: {  	v4 =	vld.idx.msk [tilespmem:v10+s29+$0x0], $0xffff  }
0xdc: {  	v6 =	vld.idx.msk [tilespmem:v12+s29+$0x0], $0xffff  }
0xdd: {  	v13 =	vld.idx.msk [tilespmem:v5+s29+$0x0], $0xffff  }
0xde: {  	v14 =	vld.idx.msk [tilespmem:v7+s29+$0x0], $0xffff;
	v0 =	vmul.f32 v2, v0  }
0xdf: {  	v2 =	vld.idx.msk [tilespmem:v1+s29+$0x0], $0xffff  }
0xe0: {  	v15 =	vld.idx.msk [tilespmem:v9+s29+$0x0], $0xffff;
	v0 =	vadd.f32 v0, v3  }
0xe1: {  	s7 =	sadd.s32 $0x80, s7;
	v16 =	vld.idx.msk [tilespmem:v11+s29+$0x0], $0xffff  }
0xe2: {  	v3 =	vld [tilespmem:s6+$0xFFFFFFC0];
	[tilespmem:s7+$0x30] =	vst v0  }
0xe3: {  	v0 =	vld [tilespmem:s6+$0xFFFFFFD0]  }
0xe4: {  	v17 =	vld [tilespmem:s6+$0xFFFFFFE0]  }
0xe5: {  	v18 =	vld [tilespmem:s6+$0xFFFFFFF0]  }
0xe6: {  	v19 =	vld [tilespmem:s6+$0x0]  }
0xe7: {  	v20 =	vmul.f32 v3, v2;
	v2 =	vld [tilespmem:s6+$0x10]  }
0xe8: {  	v8 =	vmul.f32 v0, v4;
	v0 =	vld [tilespmem:s6+$0x20]  }
0xe9: {  	v21 =	vld.idx.msk [tilespmem:v1+s30+$0x0], $0xffff;
	v4 =	vmul.f32 v17, v6  }
0xea: {  	v10 =	vld.idx.msk [tilespmem:v10+s30+$0x0], $0xffff;
	v6 =	vmul.f32 v18, v13  }
.Ltmp1:
0xeb: {  	v3 =	vld.idx.msk [tilespmem:v12+s30+$0x0], $0xffff;
	v1 =	vmul.f32 v19, v14;
	(pc) =	sbr.rel @p0 .LBB2_4-.Ltmp1, $4  }
0xec: {  	v5 =	vld.idx.msk [tilespmem:v5+s30+$0x0], $0xffff;
	v2 =	vmul.f32 v2, v15  }
0xed: {  	v7 =	vld.idx.msk [tilespmem:v7+s30+$0x0], $0xffff;
	v0 =	vmul.f32 v0, v16  }
0xee: {  	v9 =	vld.idx.msk [tilespmem:v9+s30+$0x0], $0xffff  }
0xef: {  	s19 =	sadd.s32 $0x80, s19;
	v12 =	vadd.f32 v20, v21;
	v11 =	vld.idx.msk [tilespmem:v11+s30+$0x0], $0xffff  }
0xf0: {  	v8 =	vadd.f32 v8, v10  }
0xf1: {  	v3 =	vadd.f32 v4, v3;
	[tilespmem:s7+$0xFFFFFFC0] =	vst v12  }
0xf2: {  	v4 =	vadd.f32 v6, v5;
	[tilespmem:s7+$0xFFFFFFD0] =	vst v8  }
0xf3: {  	[tilespmem:s7+$0xFFFFFFE0] =	vst v3;
	v1 =	vadd.f32 v1, v7  }
0xf4: {  	[tilespmem:s7+$0xFFFFFFF0] =	vst v4;
	v2 =	vadd.f32 v2, v9  }
0xf5: {  	[tilespmem:s7+$0x0] =	vst v1;
	v0 =	vadd.f32 v0, v11  }
0xf6: {  	[tilespmem:s7+$0x10] =	vst v2  }
0xf7: {  	[tilespmem:s7+$0x20] =	vst v0  }
0xf8: {  	[hbm4b:s13+s5] =	stream.linear.scatter [tilespmem:s1], [sflag:$0x6], $0x2000, $0x38;
	[tilespmem:$0xC280] =	vst v63  }
0xf9: {  	_ = 	snop  }
0xfa: {  	[tilespmem:s24], [sflag:$0x2] =	stream.linear.gather [hbm4b:s14+s5], $0x2000, $0x38;
	[tilespmem:$0xC280] =	vst v63  }
0xfb: {  	_ = 	snop  }
0xfc: {  	[tilespmem:s25], [sflag:$0x4] =	stream.linear.gather [hbm4b:s15+s5], $0x2000, $0x38;
	[tilespmem:$0xC280] =	vst v63  }
0xfd: {  	_ =	swait.ge [sflag:s26], $0x2000  }
0xfe: {  	[sflag:s26] =	ssyncset.done $0x0  }
0xff: {  	[sflag:s26] =	ssyncadd.s32 $0xFFFFE000  }
0x100: {  	_ =	swait.ge [sflag:s28], $0x2000  }
0x101: {  	[sflag:s28] =	ssyncset.done $0x0  }
0x102: {  	[sflag:s28] =	ssyncadd.s32 $0xFFFFE000  }
0x103: {  	_ =	swait.ge [sflag:s2], $0x2000  }
0x104: {  	[sflag:s2] =	ssyncset.done $0x0  }
0x105: {  	s6 =	simm.s32 $0x40;
	[sflag:s2] =	ssyncadd.s32 $0xFFFFE000  }
0x106: {  	v0 =	vld [tilespmem:s6+$0x30]  }
0x107: {  	v1 =	vld [tilespmem:s6+$0xFFFFFFD0]  }
0x108: {  	v2 =	vld [tilespmem:s6+$0xFFFFFFE0]  }
0x109: {  	v4 =	vld [tilespmem:s6+$0xFFFFFFF0]  }
0x10a: {  	v6 =	vld [tilespmem:s6+$0x0]  }
0x10b: {  	v9 =	vld [tilespmem:s6+$0x10]  }
0x10c: {  	v11 =	vld [tilespmem:s6+$0x20]  }
0x10d: {  	v3 =	vld [tilespmem:s6+$0xFFFFFFC0];
	s6 =	simm.s32 $0x4040  }
0x10e: {  	v7 =	vld [tilespmem:s6+$0x30]  }
0x10f: {  	v18 =	vld [tilespmem:s6+$0xFFFFFFC0]  }
0x110: {  	v19 =	vld [tilespmem:s6+$0xFFFFFFD0]  }
0x111: {  	v20 =	vld [tilespmem:s6+$0xFFFFFFE0]  }
0x112: {  	v21 =	vld [tilespmem:s6+$0xFFFFFFF0]  }
0x113: {  	v22 =	vld [tilespmem:s6+$0x0]  }
0x114: {  	v23 =	vld [tilespmem:s6+$0x10]  }
0x115: {  	v24 =	vld [tilespmem:s6+$0x20]  }
0x116: {  	v5 =	vld.idx.msk [tilespmem:v0+s29+$0x0], $0xffff  }
0x117: {  	v0 =	vld.idx.msk [tilespmem:v0+s30+$0x0], $0xffff  }
0x118: {  	v8 =	vld.idx.msk [tilespmem:v1+s29+$0x0], $0xffff  }
0x119: {  	v12 =	vld.idx.msk [tilespmem:v2+s29+$0x0], $0xffff  }
0x11a: {  	v13 =	vld.idx.msk [tilespmem:v4+s29+$0x0], $0xffff  }
0x11b: {  	v14 =	vld.idx.msk [tilespmem:v6+s29+$0x0], $0xffff  }
0x11c: {  	v15 =	vld.idx.msk [tilespmem:v3+s29+$0x0], $0xffff  }
0x11d: {  	v16 =	vld.idx.msk [tilespmem:v9+s29+$0x0], $0xffff  }
0x11e: {  	v17 =	vld.idx.msk [tilespmem:v11+s29+$0x0], $0xffff  }
0x11f: {  	v25 =	vld.idx.msk [tilespmem:v3+s30+$0x0], $0xffff  }
0x120: {  	v10 =	vld.idx.msk [tilespmem:v1+s30+$0x0], $0xffff  }
0x121: {  	v3 =	vld.idx.msk [tilespmem:v2+s30+$0x0], $0xffff  }
0x122: {  	v9 =	vld.idx.msk [tilespmem:v9+s30+$0x0], $0xffff;
	v5 =	vmul.f32 v7, v5  }
0x123: {  	v15 =	vmul.f32 v18, v15;
	v7 =	vld.idx.msk [tilespmem:v6+s30+$0x0], $0xffff  }
0x124: {  	v8 =	vmul.f32 v19, v8;
	v6 =	vmul.f32 v21, v13;
	v0 =	vadd.f32 v5, v0;
	v5 =	vld.idx.msk [tilespmem:v4+s30+$0x0], $0xffff  }
0x125: {  	s7 =	simm.s32 $0x8040;
	v11 =	vld.idx.msk [tilespmem:v11+s30+$0x0], $0xffff;
	v1 =	vmul.f32 v22, v14;
	v2 =	vmul.f32 v23, v16  }
0x126: {  	s8 =	simm.s32 $0x0;
	s19 =	simm.s32 $0xC0;
	v4 =	vmul.f32 v20, v12;
	v12 =	vadd.f32 v15, v25;
	[tilespmem:s7+$0x30] =	vst v0;
	v0 =	vmul.f32 v24, v17  }
.LBB2_6:
0x127: {  	v13 =	vld [tilespmem:s19+$0x30];
	s8 =	sadd.s32 $0x8, s8;
	v8 =	vadd.f32 v8, v10  }
0x128: {  	v3 =	vadd.f32 v4, v3;
	v10 =	vld [tilespmem:s19+$0xFFFFFFD0];
	p0 =	slt.u32 s8, $0x1F8;
	[tilespmem:s7+$0xFFFFFFC0] =	vst v12  }
0x129: {  	v4 =	vadd.f32 v6, v5;
	v12 =	vld [tilespmem:s19+$0xFFFFFFE0];
	[tilespmem:s7+$0xFFFFFFD0] =	vst v8  }
0x12a: {  	v1 =	vadd.f32 v1, v7;
	v5 =	vld [tilespmem:s19+$0xFFFFFFF0];
	[tilespmem:s7+$0xFFFFFFE0] =	vst v3  }
0x12b: {  	v2 =	vadd.f32 v2, v9;
	v7 =	vld [tilespmem:s19+$0x0];
	[tilespmem:s7+$0xFFFFFFF0] =	vst v4  }
0x12c: {  	v0 =	vadd.f32 v0, v11;
	v9 =	vld [tilespmem:s19+$0x10];
	[tilespmem:s7+$0x0] =	vst v1  }
0x12d: {  	v11 =	vld [tilespmem:s19+$0x20];
	[tilespmem:s7+$0x10] =	vst v2  }
0x12e: {  	v1 =	vld [tilespmem:s19+$0xFFFFFFC0];
	[tilespmem:s7+$0x20] =	vst v0  }
0x12f: {  	s6 =	sadd.s32 $0x80, s6;
	v0 =	vld.idx.msk [tilespmem:v13+s29+$0x0], $0xffff  }
0x130: {  	v2 =	vld [tilespmem:s6+$0x30]  }
0x131: {  	v3 =	vld.idx.msk [tilespmem:v13+s30+$0x0], $0xffff  }
0x132: {  	v4 =	vld.idx.msk [tilespmem:v10+s29+$0x0], $0xffff  }
0x133: {  	v6 =	vld.idx.msk [tilespmem:v12+s29+$0x0], $0xffff  }
0x134: {  	v13 =	vld.idx.msk [tilespmem:v5+s29+$0x0], $0xffff  }
0x135: {  	v14 =	vld.idx.msk [tilespmem:v7+s29+$0x0], $0xffff;
	v0 =	vmul.f32 v2, v0  }
0x136: {  	v2 =	vld.idx.msk [tilespmem:v1+s29+$0x0], $0xffff  }
0x137: {  	v15 =	vld.idx.msk [tilespmem:v9+s29+$0x0], $0xffff;
	v0 =	vadd.f32 v0, v3  }
0x138: {  	s7 =	sadd.s32 $0x80, s7;
	v16 =	vld.idx.msk [tilespmem:v11+s29+$0x0], $0xffff  }
0x139: {  	v3 =	vld [tilespmem:s6+$0xFFFFFFC0];
	[tilespmem:s7+$0x30] =	vst v0  }
0x13a: {  	v0 =	vld [tilespmem:s6+$0xFFFFFFD0]  }
0x13b: {  	v17 =	vld [tilespmem:s6+$0xFFFFFFE0]  }
0x13c: {  	v18 =	vld [tilespmem:s6+$0xFFFFFFF0]  }
0x13d: {  	v19 =	vld [tilespmem:s6+$0x0]  }
0x13e: {  	v20 =	vmul.f32 v3, v2;
	v2 =	vld [tilespmem:s6+$0x10]  }
0x13f: {  	v8 =	vmul.f32 v0, v4;
	v0 =	vld [tilespmem:s6+$0x20]  }
0x140: {  	v21 =	vld.idx.msk [tilespmem:v1+s30+$0x0], $0xffff;
	v4 =	vmul.f32 v17, v6  }
0x141: {  	v10 =	vld.idx.msk [tilespmem:v10+s30+$0x0], $0xffff;
	v6 =	vmul.f32 v18, v13  }
.Ltmp2:
0x142: {  	v3 =	vld.idx.msk [tilespmem:v12+s30+$0x0], $0xffff;
	v1 =	vmul.f32 v19, v14;
	(pc) =	sbr.rel @p0 .LBB2_6-.Ltmp2, $4  }
0x143: {  	v5 =	vld.idx.msk [tilespmem:v5+s30+$0x0], $0xffff;
	v2 =	vmul.f32 v2, v15  }
0x144: {  	v7 =	vld.idx.msk [tilespmem:v7+s30+$0x0], $0xffff;
	v0 =	vmul.f32 v0, v16  }
0x145: {  	v9 =	vld.idx.msk [tilespmem:v9+s30+$0x0], $0xffff  }
0x146: {  	s19 =	sadd.s32 $0x80, s19;
	v12 =	vadd.f32 v20, v21;
	v11 =	vld.idx.msk [tilespmem:v11+s30+$0x0], $0xffff  }
0x147: {  	v8 =	vadd.f32 v8, v10  }
0x148: {  	v3 =	vadd.f32 v4, v3;
	[tilespmem:s7+$0xFFFFFFC0] =	vst v12  }
0x149: {  	v4 =	vadd.f32 v6, v5;
	[tilespmem:s7+$0xFFFFFFD0] =	vst v8  }
0x14a: {  	[tilespmem:s7+$0xFFFFFFE0] =	vst v3;
	v1 =	vadd.f32 v1, v7  }
0x14b: {  	[tilespmem:s7+$0xFFFFFFF0] =	vst v4;
	v2 =	vadd.f32 v2, v9  }
0x14c: {  	[tilespmem:s7+$0x0] =	vst v1;
	v0 =	vadd.f32 v0, v11  }
0x14d: {  	[tilespmem:s7+$0x10] =	vst v2  }
0x14e: {  	[tilespmem:s7+$0x20] =	vst v0  }
0x14f: {  	[hbm4b:s16+s5] =	stream.linear.scatter [tilespmem:s31], [sflag:$0x5], $0x2000, $0x38;
	[tilespmem:$0xC280] =	vst v63  }
0x150: {  	_ =	swait.ge [sflag:s0], $0x2000  }
0x151: {  	[sflag:s0] =	ssyncset.done $0x0  }
0x152: {  	[sflag:s0] =	ssyncadd.s32 $0xFFFFE000  }
0x153: {  	_ =	swait.ge [sflag:s4], $0x2000  }
0x154: {  	[sflag:s4] =	ssyncset.done $0x0  }
0x155: {  	[sflag:s4] =	ssyncadd.s32 $0xFFFFE000  }
0x156: {  	_ =	swait.ge [sflag:s3], $0x2000  }
0x157: {  	[sflag:s3] =	ssyncset.done $0x0  }
0x158: {  	s6 =	simm.s32 $0x2040;
	[sflag:s3] =	ssyncadd.s32 $0xFFFFE000  }
0x159: {  	v0 =	vld [tilespmem:s6+$0x30]  }
0x15a: {  	v1 =	vld [tilespmem:s6+$0xFFFFFFD0]  }
0x15b: {  	v2 =	vld [tilespmem:s6+$0xFFFFFFE0]  }
0x15c: {  	v4 =	vld [tilespmem:s6+$0xFFFFFFF0]  }
0x15d: {  	v6 =	vld [tilespmem:s6+$0x0]  }
0x15e: {  	v9 =	vld [tilespmem:s6+$0x10]  }
0x15f: {  	v11 =	vld [tilespmem:s6+$0x20]  }
0x160: {  	v3 =	vld [tilespmem:s6+$0xFFFFFFC0];
	s6 =	simm.s32 $0x6040  }
0x161: {  	v7 =	vld [tilespmem:s6+$0x30]  }
0x162: {  	v18 =	vld [tilespmem:s6+$0xFFFFFFC0]  }
0x163: {  	v19 =	vld [tilespmem:s6+$0xFFFFFFD0]  }
0x164: {  	v20 =	vld [tilespmem:s6+$0xFFFFFFE0]  }
0x165: {  	v21 =	vld [tilespmem:s6+$0xFFFFFFF0]  }
0x166: {  	v22 =	vld [tilespmem:s6+$0x0]  }
0x167: {  	v23 =	vld [tilespmem:s6+$0x10]  }
0x168: {  	v24 =	vld [tilespmem:s6+$0x20]  }
0x169: {  	v5 =	vld.idx.msk [tilespmem:v0+s29+$0x0], $0xffff  }
0x16a: {  	v0 =	vld.idx.msk [tilespmem:v0+s30+$0x0], $0xffff  }
0x16b: {  	v8 =	vld.idx.msk [tilespmem:v1+s29+$0x0], $0xffff  }
0x16c: {  	v12 =	vld.idx.msk [tilespmem:v2+s29+$0x0], $0xffff  }
0x16d: {  	v13 =	vld.idx.msk [tilespmem:v4+s29+$0x0], $0xffff  }
0x16e: {  	v14 =	vld.idx.msk [tilespmem:v6+s29+$0x0], $0xffff  }
0x16f: {  	v15 =	vld.idx.msk [tilespmem:v3+s29+$0x0], $0xffff  }
0x170: {  	v16 =	vld.idx.msk [tilespmem:v9+s29+$0x0], $0xffff  }
0x171: {  	v17 =	vld.idx.msk [tilespmem:v11+s29+$0x0], $0xffff  }
0x172: {  	v25 =	vld.idx.msk [tilespmem:v3+s30+$0x0], $0xffff  }
0x173: {  	v10 =	vld.idx.msk [tilespmem:v1+s30+$0x0], $0xffff  }
0x174: {  	v3 =	vld.idx.msk [tilespmem:v2+s30+$0x0], $0xffff  }
0x175: {  	v9 =	vld.idx.msk [tilespmem:v9+s30+$0x0], $0xffff;
	v5 =	vmul.f32 v7, v5  }
0x176: {  	v15 =	vmul.f32 v18, v15;
	v7 =	vld.idx.msk [tilespmem:v6+s30+$0x0], $0xffff  }
0x177: {  	v8 =	vmul.f32 v19, v8;
	v6 =	vmul.f32 v21, v13;
	v0 =	vadd.f32 v5, v0;
	v5 =	vld.idx.msk [tilespmem:v4+s30+$0x0], $0xffff  }
0x178: {  	s7 =	simm.s32 $0xA040;
	v11 =	vld.idx.msk [tilespmem:v11+s30+$0x0], $0xffff;
	v1 =	vmul.f32 v22, v14;
	v2 =	vmul.f32 v23, v16  }
0x179: {  	s8 =	simm.s32 $0x0;
	s19 =	simm.s32 $0x20C0;
	v4 =	vmul.f32 v20, v12;
	v12 =	vadd.f32 v15, v25;
	[tilespmem:s7+$0x30] =	vst v0;
	v0 =	vmul.f32 v24, v17  }
.LBB2_8:
0x17a: {  	v13 =	vld [tilespmem:s19+$0x30];
	s8 =	sadd.s32 $0x8, s8;
	v8 =	vadd.f32 v8, v10  }
0x17b: {  	v3 =	vadd.f32 v4, v3;
	v10 =	vld [tilespmem:s19+$0xFFFFFFD0];
	p0 =	slt.u32 s8, $0x1F8;
	[tilespmem:s7+$0xFFFFFFC0] =	vst v12  }
0x17c: {  	v4 =	vadd.f32 v6, v5;
	v12 =	vld [tilespmem:s19+$0xFFFFFFE0];
	[tilespmem:s7+$0xFFFFFFD0] =	vst v8  }
0x17d: {  	v1 =	vadd.f32 v1, v7;
	v5 =	vld [tilespmem:s19+$0xFFFFFFF0];
	[tilespmem:s7+$0xFFFFFFE0] =	vst v3  }
0x17e: {  	v2 =	vadd.f32 v2, v9;
	v7 =	vld [tilespmem:s19+$0x0];
	[tilespmem:s7+$0xFFFFFFF0] =	vst v4  }
0x17f: {  	v0 =	vadd.f32 v0, v11;
	v9 =	vld [tilespmem:s19+$0x10];
	[tilespmem:s7+$0x0] =	vst v1  }
0x180: {  	v11 =	vld [tilespmem:s19+$0x20];
	[tilespmem:s7+$0x10] =	vst v2  }
0x181: {  	v1 =	vld [tilespmem:s19+$0xFFFFFFC0];
	[tilespmem:s7+$0x20] =	vst v0  }
0x182: {  	s6 =	sadd.s32 $0x80, s6;
	v0 =	vld.idx.msk [tilespmem:v13+s29+$0x0], $0xffff  }
0x183: {  	v2 =	vld [tilespmem:s6+$0x30]  }
0x184: {  	v3 =	vld.idx.msk [tilespmem:v13+s30+$0x0], $0xffff  }
0x185: {  	v4 =	vld.idx.msk [tilespmem:v10+s29+$0x0], $0xffff  }
0x186: {  	v6 =	vld.idx.msk [tilespmem:v12+s29+$0x0], $0xffff  }
0x187: {  	v13 =	vld.idx.msk [tilespmem:v5+s29+$0x0], $0xffff  }
0x188: {  	v14 =	vld.idx.msk [tilespmem:v7+s29+$0x0], $0xffff;
	v0 =	vmul.f32 v2, v0  }
0x189: {  	v2 =	vld.idx.msk [tilespmem:v1+s29+$0x0], $0xffff  }
0x18a: {  	v15 =	vld.idx.msk [tilespmem:v9+s29+$0x0], $0xffff;
	v0 =	vadd.f32 v0, v3  }
0x18b: {  	s7 =	sadd.s32 $0x80, s7;
	v16 =	vld.idx.msk [tilespmem:v11+s29+$0x0], $0xffff  }
0x18c: {  	v3 =	vld [tilespmem:s6+$0xFFFFFFC0];
	[tilespmem:s7+$0x30] =	vst v0  }
0x18d: {  	v0 =	vld [tilespmem:s6+$0xFFFFFFD0]  }
0x18e: {  	v17 =	vld [tilespmem:s6+$0xFFFFFFE0]  }
0x18f: {  	v18 =	vld [tilespmem:s6+$0xFFFFFFF0]  }
0x190: {  	v19 =	vld [tilespmem:s6+$0x0]  }
0x191: {  	v20 =	vmul.f32 v3, v2;
	v2 =	vld [tilespmem:s6+$0x10]  }
0x192: {  	v8 =	vmul.f32 v0, v4;
	v0 =	vld [tilespmem:s6+$0x20]  }
0x193: {  	v21 =	vld.idx.msk [tilespmem:v1+s30+$0x0], $0xffff;
	v4 =	vmul.f32 v17, v6  }
0x194: {  	v10 =	vld.idx.msk [tilespmem:v10+s30+$0x0], $0xffff;
	v6 =	vmul.f32 v18, v13  }
.Ltmp3:
0x195: {  	v3 =	vld.idx.msk [tilespmem:v12+s30+$0x0], $0xffff;
	v1 =	vmul.f32 v19, v14;
	(pc) =	sbr.rel @p0 .LBB2_8-.Ltmp3, $4  }
0x196: {  	v5 =	vld.idx.msk [tilespmem:v5+s30+$0x0], $0xffff;
	v2 =	vmul.f32 v2, v15  }
0x197: {  	v7 =	vld.idx.msk [tilespmem:v7+s30+$0x0], $0xffff;
	v0 =	vmul.f32 v0, v16  }
0x198: {  	v9 =	vld.idx.msk [tilespmem:v9+s30+$0x0], $0xffff  }
0x199: {  	s19 =	sadd.s32 $0x80, s19;
	v12 =	vadd.f32 v20, v21;
	v11 =	vld.idx.msk [tilespmem:v11+s30+$0x0], $0xffff  }
0x19a: {  	v8 =	vadd.f32 v8, v10  }
0x19b: {  	v3 =	vadd.f32 v4, v3;
	[tilespmem:s7+$0xFFFFFFC0] =	vst v12  }
0x19c: {  	v63 =	vadd.f32 v6, v5;
	[tilespmem:s7+$0xFFFFFFD0] =	vst v8  }
0x19d: {  	[tilespmem:s7+$0xFFFFFFE0] =	vst v3;
	v1 =	vadd.f32 v1, v7  }
0x19e: {  	[tilespmem:s7+$0xFFFFFFF0] =	vst v63;
	v2 =	vadd.f32 v2, v9  }
0x19f: {  	[tilespmem:s7+$0x0] =	vst v1;
	v0 =	vadd.f32 v0, v11  }
0x1a0: {  	[tilespmem:s7+$0x10] =	vst v2  }
0x1a1: {  	s20 =	sadd.s32 $0x1, s20;
	[tilespmem:s7+$0x20] =	vst v0  }
0x1a2: {  	[hbm4b:s17+s5] =	stream.linear.scatter [tilespmem:s1], [sflag:$0x6], $0x2000, $0x38;
	[tilespmem:$0xC280] =	vst v63  }
0x1a3: {  	p0 =	sne.s32 s20, s18;
	_ =	swait.ge [sflag:s2], $0x2000  }
.Ltmp4:
0x1a4: {  	[sflag:s2] =	ssyncset.done $0x0;
	(pc) =	sbr.rel @p0 .LBB2_1-.Ltmp4, $4  }
0x1a5: {  	[sflag:s2] =	ssyncadd.s32 $0xFFFFE000  }
0x1a6: {  	_ =	swait.ge [sflag:s3], $0x2000  }
0x1a7: {  	[sflag:s3] =	ssyncset.done $0x0  }
0x1a8: {  	[sflag:s3] =	ssyncadd.s32 $0xFFFFE000  }
0x1a9: {  	_ =	sfence.sel $0x180000  }
0x1aa: {  	[bflag:$0x0] =	sbarrier.arrive $0xFFFF  }
0x1ab: {  	_ =	strace $0x90000047  }
0x1ac: {  	s0 =	stileid.u32;
	[bflag:$0x2] =	sbarrier.arrive $0xFFFF  }
0x1ad: {  	p0 =	sne.s32 s0, $0x0;
	s0 =	rddreg [dreg:$0x6]  }
0x1ae: {  	s0 =	sadd.s32 @!p0 $0x100000, s0  }
0x1af: {  	[sflag:s0] =	ssyncadd.tile.s32 @!p0 $0x1;
	_ =	shalt  }
.Lfunc_end2:
_tile_overlayer_lowered:
.L_overlay_start_2:
0x1b0: {  	(tag) =	ssettag $0x2  }
0x1b1: {  	s0 =	rddreg [dreg:$0x0];
	s2 =	stileid.u32  }
0x1b2: {  	s1 =	rddreg [dreg:$0x1];
	p0 =	sne.s32 s2, $0x0  }
0x1b3: {  	s3 =	rddreg [dreg:$0x2];
	[bflag:$0x3] =	sbarrier.arrive $0xFFFF;
	s2 =	simm.s32 @!p0 $0x1C07  }
0x1b4: {  	[timem:s3], [sflag:s2] =	dma.local @!p0 [hbm:s0], s1  }
0x1b5: {  	s0 =	simm.s32 @!p0 $0x7  }
0x1b6: {  	_ =	swait.ge @!p0 [sflag:s0], s1  }
0x1b7: {  	s1 =	ssub.s32 @!p0 $0x0, s1;
	[sflag:s0] =	ssyncset.done @!p0 $0x0  }
0x1b8: {  	[sflag:s0] =	ssyncadd.s32 @!p0 s1  }
0x1b9: {  	[bflag:$0x3] =	sbarrier.arrive $0xFFFF  }
0x1ba: {  	_ =	shalt  }

</sc_bundles>
